<compile_context>
chip_gen: v7x
topology: tpu7x:2x2x1
jax: 0.10.2.dev20260603
libtpu: 0.0.44.dev20260713+nightly
codegen_flags: <defaults>
</compile_context>

<pallas_src>
import functools

import jax
import jax.numpy as jnp
from jax import lax
from jax.experimental import pallas as pl
from jax.experimental.pallas import tpu as pltpu
from jax.experimental.pallas import tpu_sc as plsc

NUM_CLASSES = 64
N_SUPPORT = 8192
N_QUERY = 16384
D_FEAT = 512

NC = 2
NS = 16
NW = NC * NS
ROWS_PER_TILE = N_SUPPORT // NW
SC_BATCH = 64
NB = ROWS_PER_TILE // SC_BATCH
CNT_W = 128


def _sc_segment_sums(support_features, support_labels):
    zeros_sum = jnp.zeros((NUM_CLASSES * D_FEAT,), jnp.float32)
    zeros_cnt = jnp.zeros((NUM_CLASSES * CNT_W,), jnp.float32)

    mesh = plsc.VectorSubcoreMesh(core_axis_name="c", subcore_axis_name="s",
                                  num_cores=NC, num_subcores=NS)

    @functools.partial(
        pl.kernel,
        out_type=(
            jax.ShapeDtypeStruct((NW, NUM_CLASSES * D_FEAT), jnp.float32),
            jax.ShapeDtypeStruct((NW, NUM_CLASSES * CNT_W), jnp.float32),
        ),
        mesh=mesh,
        scratch_types=[
            pltpu.VMEM((SC_BATCH, D_FEAT), jnp.float32),
            pltpu.VMEM((SC_BATCH, D_FEAT), jnp.float32),
            pltpu.VMEM((SC_BATCH,), jnp.int32),
            pltpu.VMEM((SC_BATCH,), jnp.int32),
            pltpu.VMEM((NUM_CLASSES * D_FEAT,), jnp.float32),
            pltpu.VMEM((NUM_CLASSES * CNT_W,), jnp.float32),
            pltpu.SemaphoreType.DMA,
            pltpu.SemaphoreType.DMA,
            pltpu.SemaphoreType.DMA,
            pltpu.SemaphoreType.DMA,
            pltpu.SemaphoreType.DMA,
        ],
        compiler_params=pltpu.CompilerParams(use_tc_tiling_on_sc=True,
                                             needs_layout_passes=False),
    )
    def seg_kernel(feat_hbm, lab_hbm, zsum_hbm, zcnt_hbm,
                   out_sums, out_cnts,
                   rb0, rb1, lb0, lb1, acc_sum, acc_cnt,
                   sf0, sf1, sl0, sl1, sz):
        c = lax.axis_index("c")
        s = lax.axis_index("s")

        col0 = lax.iota(jnp.int32, 16)
        ones_v = jnp.full((16,), 1.0, jnp.float32)

        wid = s * NC + c
        base = wid * ROWS_PER_TILE
        bufs = [(rb0, lb0, sf0, sl0), (rb1, lb1, sf1, sl1)]

        dz0 = pltpu.async_copy(zsum_hbm, acc_sum, sz)
        dz1 = pltpu.async_copy(zcnt_hbm, acc_cnt, sz)

        def start(b, slot):
            rb, lbuf, sf, sl = bufs[slot]
            off = base + b * SC_BATCH
            pltpu.async_copy(feat_hbm.at[pl.ds(off, SC_BATCH)], rb, sf)
            pltpu.async_copy(lab_hbm.at[pl.ds(off, SC_BATCH)], lbuf, sl)

        def waitbuf(slot):
            rb, lbuf, sf, sl = bufs[slot]
            pltpu.make_async_copy(
                feat_hbm.at[pl.ds(0, SC_BATCH)], rb, sf).wait()
            pltpu.make_async_copy(
                lab_hbm.at[pl.ds(0, SC_BATCH)], lbuf, sl).wait()

        def compute(rb, lbuf):
            def group(i, _):
                labs16 = lbuf[pl.ds(i * 16, 16)]
                v0 = jnp.take(labs16, jnp.full((16,), 0, jnp.int32))
                v15 = jnp.take(labs16, jnp.full((16,), 15, jnp.int32))
                plsc.addupdate_scatter(
                    acc_cnt, [labs16 * CNT_W + col0], ones_v)
                uniform = jnp.all(labs16 == v0)

                def tree(vs):
                    while len(vs) > 1:
                        vs = [vs[a] + vs[a + 1] for a in range(0, len(vs), 2)]
                    return vs[0]

                def fast_path():
                    base0 = jnp.min(labs16) * D_FEAT

                    @functools.partial(
                        plsc.parallel_loop, 0, D_FEAT // 16, unroll=2)
                    def _chunks(kk):
                        sl16 = pl.ds(kk * 16, 16)
                        s = tree([rb[i * 16 + j, sl16] for j in range(16)])
                        dst = pl.ds(base0 + kk * 16, 16)
                        acc_sum[dst] = acc_sum[dst] + s

                def boundary_path():
                    two = jnp.all((labs16 == v0) | (labs16 == v15))

                    def two_class():
                        masks = [jnp.take(labs16, jnp.full((16,), j, jnp.int32))
                                 == v0 for j in range(16)]
                        base_a = jnp.min(labs16) * D_FEAT
                        base_b = jnp.max(labs16) * D_FEAT
                        zero_v = jnp.zeros((16,), jnp.float32)

                        def chunk2(kk, _):
                            sl16 = pl.ds(kk * 16, 16)
                            rows = [rb[i * 16 + j, sl16] for j in range(16)]
                            total = tree(list(rows))
                            part_a = tree([
                                jnp.where(masks[j], rows[j], zero_v)
                                for j in range(16)])
                            dst_a = pl.ds(base_a + kk * 16, 16)
                            acc_sum[dst_a] = acc_sum[dst_a] + part_a
                            dst_b = pl.ds(base_b + kk * 16, 16)
                            acc_sum[dst_b] = acc_sum[dst_b] + (total - part_a)
                            return 0
                        lax.fori_loop(0, D_FEAT // 16, chunk2, 0, unroll=2)

                    def per_row():
                        def row(j, _):
                            labj = jnp.take(labs16,
                                            jnp.full((16,), j, jnp.int32))
                            rowbase = labj * D_FEAT + col0

                            def chunk_s(kk, _):
                                chunkv = rb[i * 16 + j, pl.ds(kk * 16, 16)]
                                plsc.addupdate_scatter(
                                    acc_sum, [rowbase + (kk * 16)], chunkv)
                                return 0
                            lax.fori_loop(0, D_FEAT // 16, chunk_s, 0,
                                          unroll=4)
                            return 0
                        lax.fori_loop(0, 16, row, 0, unroll=False)

                    lax.cond(two, two_class, per_row)

                lax.cond(uniform, fast_path, boundary_path)
                return 0
            lax.fori_loop(0, SC_BATCH // 16, group, 0, unroll=False)

        start(0, 0)
        start(1, 1)
        dz0.wait()
        dz1.wait()

        def pair(t, _):
            waitbuf(0)
            compute(rb0, lb0)

            @pl.when(t < NB // 2 - 1)
            def _():
                start(2 * t + 2, 0)

            waitbuf(1)
            compute(rb1, lb1)

            @pl.when(t < NB // 2 - 1)
            def _():
                start(2 * t + 3, 1)
            return 0
        lax.fori_loop(0, NB // 2, pair, 0, unroll=False)

        pltpu.sync_copy(acc_sum, out_sums.at[wid])
        pltpu.sync_copy(acc_cnt, out_cnts.at[wid])

    return seg_kernel(support_features, support_labels, zeros_sum, zeros_cnt)


BQ = 2048
Q2R = 8


def _q2_body(q_ref, out_ref):
    q = q_ref[...]
    ones_m = jnp.ones((Q2R, D_FEAT), jnp.float32)
    out_ref[...] = lax.dot_general(ones_m, q * q, (((1,), (1,)), ((), ())),
                                   preferred_element_type=jnp.float32)


def _tc_body(psums_ref, pcnts_ref, q_ref, q2_ref, out_ref, proto_ref, p2_ref):
    @pl.when(pl.program_id(0) == 0)
    def _():
        sums = jnp.sum(psums_ref[...], axis=0).reshape(
            NUM_CLASSES, D_FEAT)
        cnt_t = jnp.sum(pcnts_ref[...], axis=0).reshape(
            NUM_CLASSES, CNT_W)
        cnts = jnp.sum(cnt_t, axis=1, keepdims=True)
        proto = sums / cnts
        proto_ref[...] = -2.0 * proto
        p2_ref[...] = jnp.sum(proto * proto, axis=1,
                              keepdims=True)

    q = q_ref[...]
    qpm2t = lax.dot_general(proto_ref[...], q, (((1,), (1,)), ((), ())),
                            preferred_element_type=jnp.float32)
    d2t = q2_ref[0:1, :] + p2_ref[...] + qpm2t
    out_ref[...] = -jnp.sqrt(jnp.maximum(d2t, 0.0))


def kernel(support_features, support_labels, query_features):
    psums, pcnts = _sc_segment_sums(support_features, support_labels)
    grid = (N_QUERY // BQ,)
    q2 = pl.pallas_call(
        _q2_body,
        grid=grid,
        in_specs=[pl.BlockSpec((BQ, D_FEAT), lambda i: (i, 0))],
        out_specs=pl.BlockSpec((Q2R, BQ), lambda i: (0, i)),
        out_shape=jax.ShapeDtypeStruct((Q2R, N_QUERY), jnp.float32),
        compiler_params=pltpu.CompilerParams(
            dimension_semantics=("arbitrary",),
        ),
    )(query_features)
    out_t = pl.pallas_call(
        _tc_body,
        grid=grid,
        in_specs=[
            pl.BlockSpec((NW, NUM_CLASSES * D_FEAT), lambda i: (0, 0)),
            pl.BlockSpec((NW, NUM_CLASSES * CNT_W), lambda i: (0, 0)),
            pl.BlockSpec((BQ, D_FEAT), lambda i: (i, 0)),
            pl.BlockSpec((Q2R, BQ), lambda i: (0, i)),
        ],
        out_specs=pl.BlockSpec((NUM_CLASSES, BQ), lambda i: (0, i)),
        out_shape=jax.ShapeDtypeStruct((NUM_CLASSES, N_QUERY), jnp.float32),
        scratch_shapes=[
            pltpu.VMEM((NUM_CLASSES, D_FEAT), jnp.float32),
            pltpu.VMEM((NUM_CLASSES, 1), jnp.float32),
        ],
        compiler_params=pltpu.CompilerParams(
            dimension_semantics=("arbitrary",),
        ),
    )(psums, pcnts, query_features, q2)
    return out_t.T

# --- scband reference (transcript-rebuilt; emitter-appended) ---
"""Pipeline reference for scband-simple-prototypical-head-32942399160643 (READ-ONLY COPY).

The authoritative reference and input builder live on the scoring server;
editing this copy changes nothing except your own understanding.
"""

import jax, jax.numpy as jnp
import numpy as np

NUM_CLASSES = 64
N_SUPPORT = 8192
N_QUERY = 16384
D_FEAT = 512


def setup_inputs(seed: int = 0) -> dict:
    key = jax.random.key(seed)
    k1, k2, k3 = jax.random.split(key, 3)
    support_features = jax.random.normal(k1, (N_SUPPORT, D_FEAT), dtype=jnp.float32)
    support_labels = jnp.sort(jax.random.randint(k2, (N_SUPPORT,), 0, NUM_CLASSES, dtype=jnp.int32))
    query_features = jax.random.normal(k3, (N_QUERY, D_FEAT), dtype=jnp.float32)
    return {
        "support_features": support_features,
        "support_labels": support_labels,
        "query_features": query_features,
    }


def reference(support_features, support_labels, query_features):
    # torch.unique(support_labels) returns sorted class ids; with 8192 samples over 64
    # classes every class is present, so prototypes == per-class segment means in
    # sorted class order, i.e. segment_sum / counts with num_segments=NUM_CLASSES.
    sums = jax.ops.segment_sum(support_features, support_labels, num_segments=NUM_CLASSES)
    counts = jax.ops.segment_sum(
        jnp.ones((support_labels.shape[0],), dtype=jnp.float32),
        support_labels,
        num_segments=NUM_CLASSES,
    )
    prototypes = sums / counts[:, None]
    # torch.cdist(query, prototypes) with default p=2 (Euclidean distance)
    q2 = jnp.sum(query_features * query_features, axis=1, keepdims=True)
    p2 = jnp.sum(prototypes * prototypes, axis=1)[None, :]
    d2 = q2 + p2 - 2.0 * (query_features @ prototypes.T)
    distances = jnp.sqrt(jnp.maximum(d2, 0.0))
    return -distances

if __name__ == "__main__":
    import jax
    _d = setup_inputs()
    print(jax.jit(kernel)(*tuple(_d.values())))

</pallas_src>

<mosaic_0001>
#map = affine_map<(d0, d1) -> (0, 0)>
#map1 = affine_map<(d0, d1) -> (0)>
module attributes {stable_mosaic.version = 14 : i64} {
  func.func @seg_kernel(%arg0: i32, %arg1: i32, %arg2: memref<8192x512xf32, #tpu.memory_space<hbm>>, %arg3: memref<8192xi32, #tpu.memory_space<hbm>>, %arg4: memref<32768xf32, #tpu.memory_space<hbm>>, %arg5: memref<8192xf32, #tpu.memory_space<hbm>>, %arg6: memref<32x32768xf32, #tpu.memory_space<hbm>>, %arg7: memref<32x8192xf32, #tpu.memory_space<hbm>>, %arg8: memref<64x512xf32, #tpu.memory_space<vmem>>, %arg9: memref<64x512xf32, #tpu.memory_space<vmem>>, %arg10: memref<64xi32, #tpu.memory_space<vmem>>, %arg11: memref<64xi32, #tpu.memory_space<vmem>>, %arg12: memref<32768xf32, #tpu.memory_space<vmem>>, %arg13: memref<8192xf32, #tpu.memory_space<vmem>>, %arg14: memref<!tpu.dma_semaphore, #tpu.memory_space<semaphore_mem>>, %arg15: memref<!tpu.dma_semaphore, #tpu.memory_space<semaphore_mem>>, %arg16: memref<!tpu.dma_semaphore, #tpu.memory_space<semaphore_mem>>, %arg17: memref<!tpu.dma_semaphore, #tpu.memory_space<semaphore_mem>>, %arg18: memref<!tpu.dma_semaphore, #tpu.memory_space<semaphore_mem>>) attributes {dimension_semantics = [#tpu.dimension_semantics<core_parallel>, #tpu.dimension_semantics<subcore_parallel>], iteration_bounds = array<i64: 2, 16>, scalar_prefetch = 0 : i64, scratch_operands = 11 : i64, tpu.core_type = #tpu.core_type<sc_vector_subcore>, window_params = [{transform_indices = #map}, {transform_indices = #map1}, {transform_indices = #map1}, {transform_indices = #map1}, {transform_indices = #map}, {transform_indices = #map}]} {
    %iota3A = tpu.iota {dimensions = array<i32: 0>} : vector<16xi32>
    %broadcast_in_dim3A = arith.constant 1.000000e+00 : f32
    %broadcast_in_dim3A_0 = vector.broadcast %broadcast_in_dim3A : f32 to vector<16xf32>
    %mul3A = arith.constant 2 : i32
    %mul3A_1 = arith.muli %arg1, %mul3A : i32
    %add3A = arith.addi %mul3A_1, %arg0 : i32
    %mul3A_2 = arith.constant 256 : i32
    %mul3A_3 = arith.muli %add3A, %mul3A_2 : i32
    tpu.enqueue_dma source(%arg4 : memref<32768xf32, #tpu.memory_space<hbm>>) target(%arg12 : memref<32768xf32, #tpu.memory_space<vmem>>) target_semaphore(%arg18 : memref<!tpu.dma_semaphore, #tpu.memory_space<semaphore_mem>>)
    tpu.enqueue_dma source(%arg5 : memref<8192xf32, #tpu.memory_space<hbm>>) target(%arg13 : memref<8192xf32, #tpu.memory_space<vmem>>) target_semaphore(%arg18 : memref<!tpu.dma_semaphore, #tpu.memory_space<semaphore_mem>>)
    %add3A_4 = arith.constant 0 : i32
    %add3A_5 = arith.addi %mul3A_3, %add3A_4 : i32
    %dma_start3A = arith.constant 0 : i32
    %dma_start3A_6 = tpu.memref_slice %arg2[%add3A_5, %dma_start3A] : memref<8192x512xf32, #tpu.memory_space<hbm>> -> memref<64x512xf32, #tpu.memory_space<hbm>>
    %dma_start3A_7 = arith.constant 0 : i32
    %dma_start3A_8 = tpu.memref_slice %arg2[%add3A_5, %dma_start3A_7] : memref<8192x512xf32, #tpu.memory_space<hbm>> -> memref<64x512xf32, #tpu.memory_space<hbm>>
    tpu.enqueue_dma source(%dma_start3A_8 : memref<64x512xf32, #tpu.memory_space<hbm>>) target(%arg8 : memref<64x512xf32, #tpu.memory_space<vmem>>) target_semaphore(%arg14 : memref<!tpu.dma_semaphore, #tpu.memory_space<semaphore_mem>>)
    %dma_start3A_9 = tpu.memref_slice %arg3[%add3A_5] : memref<8192xi32, #tpu.memory_space<hbm>> -> memref<64xi32, #tpu.memory_space<hbm>>
    %dma_start3A_10 = tpu.memref_slice %arg3[%add3A_5] : memref<8192xi32, #tpu.memory_space<hbm>> -> memref<64xi32, #tpu.memory_space<hbm>>
    tpu.enqueue_dma source(%dma_start3A_10 : memref<64xi32, #tpu.memory_space<hbm>>) target(%arg10 : memref<64xi32, #tpu.memory_space<vmem>>) target_semaphore(%arg16 : memref<!tpu.dma_semaphore, #tpu.memory_space<semaphore_mem>>)
    %add3A_11 = arith.constant 64 : i32
    %add3A_12 = arith.addi %mul3A_3, %add3A_11 : i32
    %dma_start3A_13 = arith.constant 0 : i32
    %dma_start3A_14 = tpu.memref_slice %arg2[%add3A_12, %dma_start3A_13] : memref<8192x512xf32, #tpu.memory_space<hbm>> -> memref<64x512xf32, #tpu.memory_space<hbm>>
    %dma_start3A_15 = arith.constant 0 : i32
    %dma_start3A_16 = tpu.memref_slice %arg2[%add3A_12, %dma_start3A_15] : memref<8192x512xf32, #tpu.memory_space<hbm>> -> memref<64x512xf32, #tpu.memory_space<hbm>>
    tpu.enqueue_dma source(%dma_start3A_16 : memref<64x512xf32, #tpu.memory_space<hbm>>) target(%arg9 : memref<64x512xf32, #tpu.memory_space<vmem>>) target_semaphore(%arg15 : memref<!tpu.dma_semaphore, #tpu.memory_space<semaphore_mem>>)
    %dma_start3A_17 = tpu.memref_slice %arg3[%add3A_12] : memref<8192xi32, #tpu.memory_space<hbm>> -> memref<64xi32, #tpu.memory_space<hbm>>
    %dma_start3A_18 = tpu.memref_slice %arg3[%add3A_12] : memref<8192xi32, #tpu.memory_space<hbm>> -> memref<64xi32, #tpu.memory_space<hbm>>
    tpu.enqueue_dma source(%dma_start3A_18 : memref<64xi32, #tpu.memory_space<hbm>>) target(%arg11 : memref<64xi32, #tpu.memory_space<vmem>>) target_semaphore(%arg17 : memref<!tpu.dma_semaphore, #tpu.memory_space<semaphore_mem>>)
    tpu.wait_dma2 semaphore(%arg18 : memref<!tpu.dma_semaphore, #tpu.memory_space<semaphore_mem>>) src(%arg4 : memref<32768xf32, #tpu.memory_space<hbm>>) dst(%arg12 : memref<32768xf32, #tpu.memory_space<vmem>>)
    tpu.wait_dma2 semaphore(%arg18 : memref<!tpu.dma_semaphore, #tpu.memory_space<semaphore_mem>>) src(%arg5 : memref<8192xf32, #tpu.memory_space<hbm>>) dst(%arg13 : memref<8192xf32, #tpu.memory_space<vmem>>)
    %scan3A = arith.constant 0 : i32
    %scan3A_19 = arith.constant 0 : i32
    %scan3A_20 = arith.constant 2 : i32
    %scan3A_21 = arith.addi %scan3A_19, %scan3A_20 : i32
    %scan3A_22 = arith.constant 1 : i32
    %scan3A_23 = scf.for %scan3A_25 = %scan3A_19 to %scan3A_21 step %scan3A_22 iter_args(%scan3A_26 = %scan3A) -> (i32)  : i32 {
      %dma_wait3A = arith.constant 0 : i32
      %dma_wait3A_27 = arith.constant 0 : i32
      %dma_wait3A_28 = tpu.memref_slice %arg2[%dma_wait3A, %dma_wait3A_27] : memref<8192x512xf32, #tpu.memory_space<hbm>> -> memref<64x512xf32, #tpu.memory_space<hbm>>
      %dma_wait3A_29 = arith.constant 0 : i32
      %dma_wait3A_30 = arith.constant 0 : i32
      %dma_wait3A_31 = tpu.memref_slice %arg2[%dma_wait3A_29, %dma_wait3A_30] : memref<8192x512xf32, #tpu.memory_space<hbm>> -> memref<64x512xf32, #tpu.memory_space<hbm>>
      tpu.wait_dma2 semaphore(%arg14 : memref<!tpu.dma_semaphore, #tpu.memory_space<semaphore_mem>>) src(%dma_wait3A_31 : memref<64x512xf32, #tpu.memory_space<hbm>>) dst(%arg8 : memref<64x512xf32, #tpu.memory_space<vmem>>)
      %dma_wait3A_32 = arith.constant 0 : i32
      %dma_wait3A_33 = tpu.memref_slice %arg3[%dma_wait3A_32] : memref<8192xi32, #tpu.memory_space<hbm>> -> memref<64xi32, #tpu.memory_space<hbm>>
      %dma_wait3A_34 = arith.constant 0 : i32
      %dma_wait3A_35 = tpu.memref_slice %arg3[%dma_wait3A_34] : memref<8192xi32, #tpu.memory_space<hbm>> -> memref<64xi32, #tpu.memory_space<hbm>>
      tpu.wait_dma2 semaphore(%arg16 : memref<!tpu.dma_semaphore, #tpu.memory_space<semaphore_mem>>) src(%dma_wait3A_35 : memref<64xi32, #tpu.memory_space<hbm>>) dst(%arg10 : memref<64xi32, #tpu.memory_space<vmem>>)
      %scan3A_36 = arith.constant 0 : i32
      %scan3A_37 = arith.constant 0 : i32
      %scan3A_38 = arith.constant 4 : i32
      %scan3A_39 = arith.addi %scan3A_37, %scan3A_38 : i32
      %scan3A_40 = arith.constant 1 : i32
      %scan3A_41 = scf.for %scan3A_68 = %scan3A_37 to %scan3A_39 step %scan3A_40 iter_args(%scan3A_69 = %scan3A_36) -> (i32)  : i32 {
        %mul3A_70 = arith.constant 16 : i32
        %mul3A_71 = arith.muli %scan3A_68, %mul3A_70 : i32
        %get3A = arith.index_cast %mul3A_71 : i32 to index
        %get3A_72 = tpu.vector_load %arg10[%get3A] {strides = array<i32>} : memref<64xi32, #tpu.memory_space<vmem>>, vector<16xi32>,
        %broadcast_in_dim3A_73 = arith.constant 0 : i32
        %broadcast_in_dim3A_74 = vector.broadcast %broadcast_in_dim3A_73 : i32 to vector<16xi32>
        %lt3A_75 = arith.constant 0 : i32
        %lt3A_76 = vector.broadcast %lt3A_75 : i32 to vector<16xi32>
        %lt3A_77 = arith.cmpi slt, %broadcast_in_dim3A_74, %lt3A_76 : vector<16xi32>
        %add3A_78 = arith.constant 16 : i32
        %add3A_79 = vector.broadcast %add3A_78 : i32 to vector<16xi32>
        %add3A_80 = arith.addi %broadcast_in_dim3A_74, %add3A_79 : vector<16xi32>
        %select_n3A = arith.select %lt3A_77, %add3A_80, %broadcast_in_dim3A_74 : vector<16xi1>, vector<16xi32>
        %broadcast_in_dim3A_81 = vector.shape_cast %select_n3A : vector<16xi32> to vector<16x1xi32>
        %gather3A = vector.shape_cast %broadcast_in_dim3A_81 : vector<16x1xi32> to vector<16xi32>
        %gather3A_82 = tpu.dynamic_gather %get3A_72[%gather3A] in [0] : vector<16xi32>, vector<16xi32> -> vector<16xi32>
        %broadcast_in_dim3A_83 = arith.constant 15 : i32
        %broadcast_in_dim3A_84 = vector.broadcast %broadcast_in_dim3A_83 : i32 to vector<16xi32>
        %lt3A_85 = arith.constant 0 : i32
        %lt3A_86 = vector.broadcast %lt3A_85 : i32 to vector<16xi32>
        %lt3A_87 = arith.cmpi slt, %broadcast_in_dim3A_84, %lt3A_86 : vector<16xi32>
        %add3A_88 = arith.constant 16 : i32
        %add3A_89 = vector.broadcast %add3A_88 : i32 to vector<16xi32>
        %add3A_90 = arith.addi %broadcast_in_dim3A_84, %add3A_89 : vector<16xi32>
        %select_n3A_91 = arith.select %lt3A_87, %add3A_90, %broadcast_in_dim3A_84 : vector<16xi1>, vector<16xi32>
        %broadcast_in_dim3A_92 = vector.shape_cast %select_n3A_91 : vector<16xi32> to vector<16x1xi32>
        %gather3A_93 = vector.shape_cast %broadcast_in_dim3A_92 : vector<16x1xi32> to vector<16xi32>
        %gather3A_94 = tpu.dynamic_gather %get3A_72[%gather3A_93] in [0] : vector<16xi32>, vector<16xi32> -> vector<16xi32>
        %mul3A_95 = arith.constant 128 : i32
        %mul3A_96 = vector.broadcast %mul3A_95 : i32 to vector<16xi32>
        %mul3A_97 = arith.muli %get3A_72, %mul3A_96 : vector<16xi32>
        %add3A_98 = arith.addi %mul3A_97, %iota3A : vector<16xi32>
        tpu.vector_store_idx %arg13[%add3A_98], %broadcast_in_dim3A_0 {add = true} : memref<8192xf32, #tpu.memory_space<vmem>>[vector<16xi32>], vector<16xf32>,
        %eq3A = arith.cmpi eq, %get3A_72, %gather3A_82 : vector<16xi32>
        %reduce_and3A = arith.constant 1.000000e+00 : f32
        %reduce_and3A_99 = arith.constant 0.000000e+00 : f32
        %reduce_and3A_100 = vector.broadcast %reduce_and3A : f32 to vector<16xf32>
        %reduce_and3A_101 = vector.broadcast %reduce_and3A_99 : f32 to vector<16xf32>
        %reduce_and3A_102 = arith.select %eq3A, %reduce_and3A_100, %reduce_and3A_101 : vector<16xi1>, vector<16xf32>
        %reduce_and3A_103 = arith.constant true
        %reduce_and3A_104 = vector.broadcast %reduce_and3A_103 : i1 to vector<16xi1>
        %reduce_and3A_105 = tpu.scan <min>, %reduce_and3A_102 masked %reduce_and3A_104 : vector<16xf32>, vector<16xi1> -> vector<16xf32>
        %reduce_and3A_106 = vector.extract %reduce_and3A_105[15] : f32 from vector<16xf32>
        %reduce_and3A_107 = arith.constant 0.000000e+00 : f32
        %reduce_and3A_108 = arith.cmpf ogt, %reduce_and3A_106, %reduce_and3A_107 : f32
        %convert_element_type3A_109 = arith.extui %reduce_and3A_108 : i1 to i32
        %cond3A_110 = arith.constant 0 : i32
        %cond3A_111 = arith.cmpi ne, %convert_element_type3A_109, %cond3A_110 : i32
        scf.if %cond3A_111 {
          %reduce_min3A = arith.constant true
          %reduce_min3A_113 = vector.broadcast %reduce_min3A : i1 to vector<16xi1>
          %reduce_min3A_114 = arith.constant -2147483648 : i32
          %reduce_min3A_115 = vector.broadcast %reduce_min3A_114 : i32 to vector<16xi32>
          %reduce_min3A_116 = arith.xori %get3A_72, %reduce_min3A_115 : vector<16xi32>
          %reduce_min3A_117 = tpu.scan <min>, %reduce_min3A_116 masked %reduce_min3A_113 : vector<16xi32>, vector<16xi1> -> vector<16xi32>
          %reduce_min3A_118 = arith.xori %reduce_min3A_117, %reduce_min3A_115 : vector<16xi32>
          %reduce_min3A_119 = vector.extract %reduce_min3A_118[15] : i32 from vector<16xi32>
          %mul3A_120 = arith.constant 512 : i32
          %mul3A_121 = arith.muli %reduce_min3A_119, %mul3A_120 : i32
        } else {
          %eq3A_113 = arith.cmpi eq, %get3A_72, %gather3A_82 : vector<16xi32>
          %eq3A_114 = arith.cmpi eq, %get3A_72, %gather3A_94 : vector<16xi32>
          %or3A = arith.ori %eq3A_113, %eq3A_114 : vector<16xi1>
          %reduce_and3A_115 = arith.constant 1.000000e+00 : f32
          %reduce_and3A_116 = arith.constant 0.000000e+00 : f32
          %reduce_and3A_117 = vector.broadcast %reduce_and3A_115 : f32 to vector<16xf32>
          %reduce_and3A_118 = vector.broadcast %reduce_and3A_116 : f32 to vector<16xf32>
          %reduce_and3A_119 = arith.select %or3A, %reduce_and3A_117, %reduce_and3A_118 : vector<16xi1>, vector<16xf32>
          %reduce_and3A_120 = arith.constant true
          %reduce_and3A_121 = vector.broadcast %reduce_and3A_120 : i1 to vector<16xi1>
          %reduce_and3A_122 = tpu.scan <min>, %reduce_and3A_119 masked %reduce_and3A_121 : vector<16xf32>, vector<16xi1> -> vector<16xf32>
          %reduce_and3A_123 = vector.extract %reduce_and3A_122[15] : f32 from vector<16xf32>
          %reduce_and3A_124 = arith.constant 0.000000e+00 : f32
          %reduce_and3A_125 = arith.cmpf ogt, %reduce_and3A_123, %reduce_and3A_124 : f32
          %convert_element_type3A_126 = arith.extui %reduce_and3A_125 : i1 to i32
          %cond3A_127 = arith.constant 0 : i32
          %cond3A_128 = arith.cmpi ne, %convert_element_type3A_126, %cond3A_127 : i32
          scf.if %cond3A_128 {
            %broadcast_in_dim3A_129 = arith.constant 0 : i32
            %broadcast_in_dim3A_130 = vector.broadcast %broadcast_in_dim3A_129 : i32 to vector<16xi32>
            %lt3A_131 = arith.constant 0 : i32
            %lt3A_132 = vector.broadcast %lt3A_131 : i32 to vector<16xi32>
            %lt3A_133 = arith.cmpi slt, %broadcast_in_dim3A_130, %lt3A_132 : vector<16xi32>
            %add3A_134 = arith.constant 16 : i32
            %add3A_135 = vector.broadcast %add3A_134 : i32 to vector<16xi32>
            %add3A_136 = arith.addi %broadcast_in_dim3A_130, %add3A_135 : vector<16xi32>
            %select_n3A_137 = arith.select %lt3A_133, %add3A_136, %broadcast_in_dim3A_130 : vector<16xi1>, vector<16xi32>
            %broadcast_in_dim3A_138 = vector.shape_cast %select_n3A_137 : vector<16xi32> to vector<16x1xi32>
            %gather3A_139 = vector.shape_cast %broadcast_in_dim3A_138 : vector<16x1xi32> to vector<16xi32>
            %gather3A_140 = tpu.dynamic_gather %get3A_72[%gather3A_139] in [0] : vector<16xi32>, vector<16xi32> -> vector<16xi32>
            %eq3A_141 = arith.cmpi eq, %gather3A_140, %gather3A_82 : vector<16xi32>
            %broadcast_in_dim3A_142 = arith.constant 1 : i32
            %broadcast_in_dim3A_143 = vector.broadcast %broadcast_in_dim3A_142 : i32 to vector<16xi32>
            %lt3A_144 = arith.constant 0 : i32
            %lt3A_145 = vector.broadcast %lt3A_144 : i32 to vector<16xi32>
            %lt3A_146 = arith.cmpi slt, %broadcast_in_dim3A_143, %lt3A_145 : vector<16xi32>
            %add3A_147 = arith.constant 16 : i32
            %add3A_148 = vector.broadcast %add3A_147 : i32 to vector<16xi32>
            %add3A_149 = arith.addi %broadcast_in_dim3A_143, %add3A_148 : vector<16xi32>
            %select_n3A_150 = arith.select %lt3A_146, %add3A_149, %broadcast_in_dim3A_143 : vector<16xi1>, vector<16xi32>
            %broadcast_in_dim3A_151 = vector.shape_cast %select_n3A_150 : vector<16xi32> to vector<16x1xi32>
            %gather3A_152 = vector.shape_cast %broadcast_in_dim3A_151 : vector<16x1xi32> to vector<16xi32>
            %gather3A_153 = tpu.dynamic_gather %get3A_72[%gather3A_152] in [0] : vector<16xi32>, vector<16xi32> -> vector<16xi32>
            %eq3A_154 = arith.cmpi eq, %gather3A_153, %gather3A_82 : vector<16xi32>
            %broadcast_in_dim3A_155 = arith.constant 2 : i32
            %broadcast_in_dim3A_156 = vector.broadcast %broadcast_in_dim3A_155 : i32 to vector<16xi32>
            %lt3A_157 = arith.constant 0 : i32
            %lt3A_158 = vector.broadcast %lt3A_157 : i32 to vector<16xi32>
            %lt3A_159 = arith.cmpi slt, %broadcast_in_dim3A_156, %lt3A_158 : vector<16xi32>
            %add3A_160 = arith.constant 16 : i32
            %add3A_161 = vector.broadcast %add3A_160 : i32 to vector<16xi32>
            %add3A_162 = arith.addi %broadcast_in_dim3A_156, %add3A_161 : vector<16xi32>
            %select_n3A_163 = arith.select %lt3A_159, %add3A_162, %broadcast_in_dim3A_156 : vector<16xi1>, vector<16xi32>
            %broadcast_in_dim3A_164 = vector.shape_cast %select_n3A_163 : vector<16xi32> to vector<16x1xi32>
            %gather3A_165 = vector.shape_cast %broadcast_in_dim3A_164 : vector<16x1xi32> to vector<16xi32>
            %gather3A_166 = tpu.dynamic_gather %get3A_72[%gather3A_165] in [0] : vector<16xi32>, vector<16xi32> -> vector<16xi32>
            %eq3A_167 = arith.cmpi eq, %gather3A_166, %gather3A_82 : vector<16xi32>
            %broadcast_in_dim3A_168 = arith.constant 3 : i32
            %broadcast_in_dim3A_169 = vector.broadcast %broadcast_in_dim3A_168 : i32 to vector<16xi32>
            %lt3A_170 = arith.constant 0 : i32
            %lt3A_171 = vector.broadcast %lt3A_170 : i32 to vector<16xi32>
            %lt3A_172 = arith.cmpi slt, %broadcast_in_dim3A_169, %lt3A_171 : vector<16xi32>
            %add3A_173 = arith.constant 16 : i32
            %add3A_174 = vector.broadcast %add3A_173 : i32 to vector<16xi32>
            %add3A_175 = arith.addi %broadcast_in_dim3A_169, %add3A_174 : vector<16xi32>
            %select_n3A_176 = arith.select %lt3A_172, %add3A_175, %broadcast_in_dim3A_169 : vector<16xi1>, vector<16xi32>
            %broadcast_in_dim3A_177 = vector.shape_cast %select_n3A_176 : vector<16xi32> to vector<16x1xi32>
            %gather3A_178 = vector.shape_cast %broadcast_in_dim3A_177 : vector<16x1xi32> to vector<16xi32>
            %gather3A_179 = tpu.dynamic_gather %get3A_72[%gather3A_178] in [0] : vector<16xi32>, vector<16xi32> -> vector<16xi32>
            %eq3A_180 = arith.cmpi eq, %gather3A_179, %gather3A_82 : vector<16xi32>
            %broadcast_in_dim3A_181 = arith.constant 4 : i32
            %broadcast_in_dim3A_182 = vector.broadcast %broadcast_in_dim3A_181 : i32 to vector<16xi32>
            %lt3A_183 = arith.constant 0 : i32
            %lt3A_184 = vector.broadcast %lt3A_183 : i32 to vector<16xi32>
            %lt3A_185 = arith.cmpi slt, %broadcast_in_dim3A_182, %lt3A_184 : vector<16xi32>
            %add3A_186 = arith.constant 16 : i32
            %add3A_187 = vector.broadcast %add3A_186 : i32 to vector<16xi32>
            %add3A_188 = arith.addi %broadcast_in_dim3A_182, %add3A_187 : vector<16xi32>
            %select_n3A_189 = arith.select %lt3A_185, %add3A_188, %broadcast_in_dim3A_182 : vector<16xi1>, vector<16xi32>
            %broadcast_in_dim3A_190 = vector.shape_cast %select_n3A_189 : vector<16xi32> to vector<16x1xi32>
            %gather3A_191 = vector.shape_cast %broadcast_in_dim3A_190 : vector<16x1xi32> to vector<16xi32>
            %gather3A_192 = tpu.dynamic_gather %get3A_72[%gather3A_191] in [0] : vector<16xi32>, vector<16xi32> -> vector<16xi32>
            %eq3A_193 = arith.cmpi eq, %gather3A_192, %gather3A_82 : vector<16xi32>
            %broadcast_in_dim3A_194 = arith.constant 5 : i32
            %broadcast_in_dim3A_195 = vector.broadcast %broadcast_in_dim3A_194 : i32 to vector<16xi32>
            %lt3A_196 = arith.constant 0 : i32
            %lt3A_197 = vector.broadcast %lt3A_196 : i32 to vector<16xi32>
            %lt3A_198 = arith.cmpi slt, %broadcast_in_dim3A_195, %lt3A_197 : vector<16xi32>
            %add3A_199 = arith.constant 16 : i32
            %add3A_200 = vector.broadcast %add3A_199 : i32 to vector<16xi32>
            %add3A_201 = arith.addi %broadcast_in_dim3A_195, %add3A_200 : vector<16xi32>
            %select_n3A_202 = arith.select %lt3A_198, %add3A_201, %broadcast_in_dim3A_195 : vector<16xi1>, vector<16xi32>
            %broadcast_in_dim3A_203 = vector.shape_cast %select_n3A_202 : vector<16xi32> to vector<16x1xi32>
            %gather3A_204 = vector.shape_cast %broadcast_in_dim3A_203 : vector<16x1xi32> to vector<16xi32>
            %gather3A_205 = tpu.dynamic_gather %get3A_72[%gather3A_204] in [0] : vector<16xi32>, vector<16xi32> -> vector<16xi32>
            %eq3A_206 = arith.cmpi eq, %gather3A_205, %gather3A_82 : vector<16xi32>
            %broadcast_in_dim3A_207 = arith.constant 6 : i32
            %broadcast_in_dim3A_208 = vector.broadcast %broadcast_in_dim3A_207 : i32 to vector<16xi32>
            %lt3A_209 = arith.constant 0 : i32
            %lt3A_210 = vector.broadcast %lt3A_209 : i32 to vector<16xi32>
            %lt3A_211 = arith.cmpi slt, %broadcast_in_dim3A_208, %lt3A_210 : vector<16xi32>
            %add3A_212 = arith.constant 16 : i32
            %add3A_213 = vector.broadcast %add3A_212 : i32 to vector<16xi32>
            %add3A_214 = arith.addi %broadcast_in_dim3A_208, %add3A_213 : vector<16xi32>
            %select_n3A_215 = arith.select %lt3A_211, %add3A_214, %broadcast_in_dim3A_208 : vector<16xi1>, vector<16xi32>
            %broadcast_in_dim3A_216 = vector.shape_cast %select_n3A_215 : vector<16xi32> to vector<16x1xi32>
            %gather3A_217 = vector.shape_cast %broadcast_in_dim3A_216 : vector<16x1xi32> to vector<16xi32>
            %gather3A_218 = tpu.dynamic_gather %get3A_72[%gather3A_217] in [0] : vector<16xi32>, vector<16xi32> -> vector<16xi32>
            %eq3A_219 = arith.cmpi eq, %gather3A_218, %gather3A_82 : vector<16xi32>
            %broadcast_in_dim3A_220 = arith.constant 7 : i32
            %broadcast_in_dim3A_221 = vector.broadcast %broadcast_in_dim3A_220 : i32 to vector<16xi32>
            %lt3A_222 = arith.constant 0 : i32
            %lt3A_223 = vector.broadcast %lt3A_222 : i32 to vector<16xi32>
            %lt3A_224 = arith.cmpi slt, %broadcast_in_dim3A_221, %lt3A_223 : vector<16xi32>
            %add3A_225 = arith.constant 16 : i32
            %add3A_226 = vector.broadcast %add3A_225 : i32 to vector<16xi32>
            %add3A_227 = arith.addi %broadcast_in_dim3A_221, %add3A_226 : vector<16xi32>
            %select_n3A_228 = arith.select %lt3A_224, %add3A_227, %broadcast_in_dim3A_221 : vector<16xi1>, vector<16xi32>
            %broadcast_in_dim3A_229 = vector.shape_cast %select_n3A_228 : vector<16xi32> to vector<16x1xi32>
            %gather3A_230 = vector.shape_cast %broadcast_in_dim3A_229 : vector<16x1xi32> to vector<16xi32>
            %gather3A_231 = tpu.dynamic_gather %get3A_72[%gather3A_230] in [0] : vector<16xi32>, vector<16xi32> -> vector<16xi32>
            %eq3A_232 = arith.cmpi eq, %gather3A_231, %gather3A_82 : vector<16xi32>
            %broadcast_in_dim3A_233 = arith.constant 8 : i32
            %broadcast_in_dim3A_234 = vector.broadcast %broadcast_in_dim3A_233 : i32 to vector<16xi32>
            %lt3A_235 = arith.constant 0 : i32
            %lt3A_236 = vector.broadcast %lt3A_235 : i32 to vector<16xi32>
            %lt3A_237 = arith.cmpi slt, %broadcast_in_dim3A_234, %lt3A_236 : vector<16xi32>
            %add3A_238 = arith.constant 16 : i32
            %add3A_239 = vector.broadcast %add3A_238 : i32 to vector<16xi32>
            %add3A_240 = arith.addi %broadcast_in_dim3A_234, %add3A_239 : vector<16xi32>
            %select_n3A_241 = arith.select %lt3A_237, %add3A_240, %broadcast_in_dim3A_234 : vector<16xi1>, vector<16xi32>
            %broadcast_in_dim3A_242 = vector.shape_cast %select_n3A_241 : vector<16xi32> to vector<16x1xi32>
            %gather3A_243 = vector.shape_cast %broadcast_in_dim3A_242 : vector<16x1xi32> to vector<16xi32>
            %gather3A_244 = tpu.dynamic_gather %get3A_72[%gather3A_243] in [0] : vector<16xi32>, vector<16xi32> -> vector<16xi32>
            %eq3A_245 = arith.cmpi eq, %gather3A_244, %gather3A_82 : vector<16xi32>
            %broadcast_in_dim3A_246 = arith.constant 9 : i32
            %broadcast_in_dim3A_247 = vector.broadcast %broadcast_in_dim3A_246 : i32 to vector<16xi32>
            %lt3A_248 = arith.constant 0 : i32
            %lt3A_249 = vector.broadcast %lt3A_248 : i32 to vector<16xi32>
            %lt3A_250 = arith.cmpi slt, %broadcast_in_dim3A_247, %lt3A_249 : vector<16xi32>
            %add3A_251 = arith.constant 16 : i32
            %add3A_252 = vector.broadcast %add3A_251 : i32 to vector<16xi32>
            %add3A_253 = arith.addi %broadcast_in_dim3A_247, %add3A_252 : vector<16xi32>
            %select_n3A_254 = arith.select %lt3A_250, %add3A_253, %broadcast_in_dim3A_247 : vector<16xi1>, vector<16xi32>
            %broadcast_in_dim3A_255 = vector.shape_cast %select_n3A_254 : vector<16xi32> to vector<16x1xi32>
            %gather3A_256 = vector.shape_cast %broadcast_in_dim3A_255 : vector<16x1xi32> to vector<16xi32>
            %gather3A_257 = tpu.dynamic_gather %get3A_72[%gather3A_256] in [0] : vector<16xi32>, vector<16xi32> -> vector<16xi32>
            %eq3A_258 = arith.cmpi eq, %gather3A_257, %gather3A_82 : vector<16xi32>
            %broadcast_in_dim3A_259 = arith.constant 10 : i32
            %broadcast_in_dim3A_260 = vector.broadcast %broadcast_in_dim3A_259 : i32 to vector<16xi32>
            %lt3A_261 = arith.constant 0 : i32
            %lt3A_262 = vector.broadcast %lt3A_261 : i32 to vector<16xi32>
            %lt3A_263 = arith.cmpi slt, %broadcast_in_dim3A_260, %lt3A_262 : vector<16xi32>
            %add3A_264 = arith.constant 16 : i32
            %add3A_265 = vector.broadcast %add3A_264 : i32 to vector<16xi32>
            %add3A_266 = arith.addi %broadcast_in_dim3A_260, %add3A_265 : vector<16xi32>
            %select_n3A_267 = arith.select %lt3A_263, %add3A_266, %broadcast_in_dim3A_260 : vector<16xi1>, vector<16xi32>
            %broadcast_in_dim3A_268 = vector.shape_cast %select_n3A_267 : vector<16xi32> to vector<16x1xi32>
            %gather3A_269 = vector.shape_cast %broadcast_in_dim3A_268 : vector<16x1xi32> to vector<16xi32>
            %gather3A_270 = tpu.dynamic_gather %get3A_72[%gather3A_269] in [0] : vector<16xi32>, vector<16xi32> -> vector<16xi32>
            %eq3A_271 = arith.cmpi eq, %gather3A_270, %gather3A_82 : vector<16xi32>
            %broadcast_in_dim3A_272 = arith.constant 11 : i32
            %broadcast_in_dim3A_273 = vector.broadcast %broadcast_in_dim3A_272 : i32 to vector<16xi32>
            %lt3A_274 = arith.constant 0 : i32
            %lt3A_275 = vector.broadcast %lt3A_274 : i32 to vector<16xi32>
            %lt3A_276 = arith.cmpi slt, %broadcast_in_dim3A_273, %lt3A_275 : vector<16xi32>
            %add3A_277 = arith.constant 16 : i32
            %add3A_278 = vector.broadcast %add3A_277 : i32 to vector<16xi32>
            %add3A_279 = arith.addi %broadcast_in_dim3A_273, %add3A_278 : vector<16xi32>
            %select_n3A_280 = arith.select %lt3A_276, %add3A_279, %broadcast_in_dim3A_273 : vector<16xi1>, vector<16xi32>
            %broadcast_in_dim3A_281 = vector.shape_cast %select_n3A_280 : vector<16xi32> to vector<16x1xi32>
            %gather3A_282 = vector.shape_cast %broadcast_in_dim3A_281 : vector<16x1xi32> to vector<16xi32>
            %gather3A_283 = tpu.dynamic_gather %get3A_72[%gather3A_282] in [0] : vector<16xi32>, vector<16xi32> -> vector<16xi32>
            %eq3A_284 = arith.cmpi eq, %gather3A_283, %gather3A_82 : vector<16xi32>
            %broadcast_in_dim3A_285 = arith.constant 12 : i32
            %broadcast_in_dim3A_286 = vector.broadcast %broadcast_in_dim3A_285 : i32 to vector<16xi32>
            %lt3A_287 = arith.constant 0 : i32
            %lt3A_288 = vector.broadcast %lt3A_287 : i32 to vector<16xi32>
            %lt3A_289 = arith.cmpi slt, %broadcast_in_dim3A_286, %lt3A_288 : vector<16xi32>
            %add3A_290 = arith.constant 16 : i32
            %add3A_291 = vector.broadcast %add3A_290 : i32 to vector<16xi32>
            %add3A_292 = arith.addi %broadcast_in_dim3A_286, %add3A_291 : vector<16xi32>
            %select_n3A_293 = arith.select %lt3A_289, %add3A_292, %broadcast_in_dim3A_286 : vector<16xi1>, vector<16xi32>
            %broadcast_in_dim3A_294 = vector.shape_cast %select_n3A_293 : vector<16xi32> to vector<16x1xi32>
            %gather3A_295 = vector.shape_cast %broadcast_in_dim3A_294 : vector<16x1xi32> to vector<16xi32>
            %gather3A_296 = tpu.dynamic_gather %get3A_72[%gather3A_295] in [0] : vector<16xi32>, vector<16xi32> -> vector<16xi32>
            %eq3A_297 = arith.cmpi eq, %gather3A_296, %gather3A_82 : vector<16xi32>
            %broadcast_in_dim3A_298 = arith.constant 13 : i32
            %broadcast_in_dim3A_299 = vector.broadcast %broadcast_in_dim3A_298 : i32 to vector<16xi32>
            %lt3A_300 = arith.constant 0 : i32
            %lt3A_301 = vector.broadcast %lt3A_300 : i32 to vector<16xi32>
            %lt3A_302 = arith.cmpi slt, %broadcast_in_dim3A_299, %lt3A_301 : vector<16xi32>
            %add3A_303 = arith.constant 16 : i32
            %add3A_304 = vector.broadcast %add3A_303 : i32 to vector<16xi32>
            %add3A_305 = arith.addi %broadcast_in_dim3A_299, %add3A_304 : vector<16xi32>
            %select_n3A_306 = arith.select %lt3A_302, %add3A_305, %broadcast_in_dim3A_299 : vector<16xi1>, vector<16xi32>
            %broadcast_in_dim3A_307 = vector.shape_cast %select_n3A_306 : vector<16xi32> to vector<16x1xi32>
            %gather3A_308 = vector.shape_cast %broadcast_in_dim3A_307 : vector<16x1xi32> to vector<16xi32>
            %gather3A_309 = tpu.dynamic_gather %get3A_72[%gather3A_308] in [0] : vector<16xi32>, vector<16xi32> -> vector<16xi32>
            %eq3A_310 = arith.cmpi eq, %gather3A_309, %gather3A_82 : vector<16xi32>
            %broadcast_in_dim3A_311 = arith.constant 14 : i32
            %broadcast_in_dim3A_312 = vector.broadcast %broadcast_in_dim3A_311 : i32 to vector<16xi32>
            %lt3A_313 = arith.constant 0 : i32
            %lt3A_314 = vector.broadcast %lt3A_313 : i32 to vector<16xi32>
            %lt3A_315 = arith.cmpi slt, %broadcast_in_dim3A_312, %lt3A_314 : vector<16xi32>
            %add3A_316 = arith.constant 16 : i32
            %add3A_317 = vector.broadcast %add3A_316 : i32 to vector<16xi32>
            %add3A_318 = arith.addi %broadcast_in_dim3A_312, %add3A_317 : vector<16xi32>
            %select_n3A_319 = arith.select %lt3A_315, %add3A_318, %broadcast_in_dim3A_312 : vector<16xi1>, vector<16xi32>
            %broadcast_in_dim3A_320 = vector.shape_cast %select_n3A_319 : vector<16xi32> to vector<16x1xi32>
            %gather3A_321 = vector.shape_cast %broadcast_in_dim3A_320 : vector<16x1xi32> to vector<16xi32>
            %gather3A_322 = tpu.dynamic_gather %get3A_72[%gather3A_321] in [0] : vector<16xi32>, vector<16xi32> -> vector<16xi32>
            %eq3A_323 = arith.cmpi eq, %gather3A_322, %gather3A_82 : vector<16xi32>
            %broadcast_in_dim3A_324 = arith.constant 15 : i32
            %broadcast_in_dim3A_325 = vector.broadcast %broadcast_in_dim3A_324 : i32 to vector<16xi32>
            %lt3A_326 = arith.constant 0 : i32
            %lt3A_327 = vector.broadcast %lt3A_326 : i32 to vector<16xi32>
            %lt3A_328 = arith.cmpi slt, %broadcast_in_dim3A_325, %lt3A_327 : vector<16xi32>
            %add3A_329 = arith.constant 16 : i32
            %add3A_330 = vector.broadcast %add3A_329 : i32 to vector<16xi32>
            %add3A_331 = arith.addi %broadcast_in_dim3A_325, %add3A_330 : vector<16xi32>
            %select_n3A_332 = arith.select %lt3A_328, %add3A_331, %broadcast_in_dim3A_325 : vector<16xi1>, vector<16xi32>
            %broadcast_in_dim3A_333 = vector.shape_cast %select_n3A_332 : vector<16xi32> to vector<16x1xi32>
            %gather3A_334 = vector.shape_cast %broadcast_in_dim3A_333 : vector<16x1xi32> to vector<16xi32>
            %gather3A_335 = tpu.dynamic_gather %get3A_72[%gather3A_334] in [0] : vector<16xi32>, vector<16xi32> -> vector<16xi32>
            %eq3A_336 = arith.cmpi eq, %gather3A_335, %gather3A_82 : vector<16xi32>
            %reduce_min3A = arith.constant true
            %reduce_min3A_337 = vector.broadcast %reduce_min3A : i1 to vector<16xi1>
            %reduce_min3A_338 = arith.constant -2147483648 : i32
            %reduce_min3A_339 = vector.broadcast %reduce_min3A_338 : i32 to vector<16xi32>
            %reduce_min3A_340 = arith.xori %get3A_72, %reduce_min3A_339 : vector<16xi32>
            %reduce_min3A_341 = tpu.scan <min>, %reduce_min3A_340 masked %reduce_min3A_337 : vector<16xi32>, vector<16xi1> -> vector<16xi32>
            %reduce_min3A_342 = arith.xori %reduce_min3A_341, %reduce_min3A_339 : vector<16xi32>
            %reduce_min3A_343 = vector.extract %reduce_min3A_342[15] : i32 from vector<16xi32>
            %mul3A_344 = arith.constant 512 : i32
            %mul3A_345 = arith.muli %reduce_min3A_343, %mul3A_344 : i32
            %reduce_max3A = arith.constant true
            %reduce_max3A_346 = vector.broadcast %reduce_max3A : i1 to vector<16xi1>
            %reduce_max3A_347 = arith.constant -2147483648 : i32
            %reduce_max3A_348 = vector.broadcast %reduce_max3A_347 : i32 to vector<16xi32>
            %reduce_max3A_349 = arith.xori %get3A_72, %reduce_max3A_348 : vector<16xi32>
            %reduce_max3A_350 = tpu.scan <max>, %reduce_max3A_349 masked %reduce_max3A_346 : vector<16xi32>, vector<16xi1> -> vector<16xi32>
            %reduce_max3A_351 = arith.xori %reduce_max3A_350, %reduce_max3A_348 : vector<16xi32>
            %reduce_max3A_352 = vector.extract %reduce_max3A_351[15] : i32 from vector<16xi32>
            %mul3A_353 = arith.constant 512 : i32
            %mul3A_354 = arith.muli %reduce_max3A_352, %mul3A_353 : i32
            %broadcast_in_dim3A_355 = arith.constant 0.000000e+00 : f32
            %broadcast_in_dim3A_356 = vector.broadcast %broadcast_in_dim3A_355 : f32 to vector<16xf32>
            %scan3A_357 = arith.constant 0 : i32
            %scan3A_358 = arith.constant 0 : i32
            %scan3A_359 = arith.constant 32 : i32
            %scan3A_360 = arith.addi %scan3A_358, %scan3A_359 : i32
            %scan3A_361 = arith.constant 2 : i32
            %scan3A_362 = scf.for %scan3A_364 = %scan3A_358 to %scan3A_360 step %scan3A_361 iter_args(%scan3A_365 = %scan3A_357) -> (i32)  : i32 {
              %mul3A_366 = arith.constant 16 : i32
              %mul3A_367 = arith.muli %scan3A_364, %mul3A_366 : i32
              %mul3A_368 = arith.constant 16 : i32
              %mul3A_369 = arith.muli %scan3A_68, %mul3A_368 : i32
              %add3A_370 = arith.constant 0 : i32
              %add3A_371 = arith.addi %mul3A_369, %add3A_370 : i32
              %get3A_372 = arith.index_cast %add3A_371 : i32 to index
              %get3A_373 = arith.index_cast %mul3A_367 : i32 to index
              %get3A_374 = tpu.vector_load %arg8[%get3A_372, %get3A_373] {strides = array<i32>} : memref<64x512xf32, #tpu.memory_space<vmem>>, vector<16xf32>,
              %mul3A_375 = arith.constant 16 : i32
              %mul3A_376 = arith.muli %scan3A_68, %mul3A_375 : i32
              %add3A_377 = arith.constant 1 : i32
              %add3A_378 = arith.addi %mul3A_376, %add3A_377 : i32
              %get3A_379 = arith.index_cast %add3A_378 : i32 to index
              %get3A_380 = arith.index_cast %mul3A_367 : i32 to index
              %get3A_381 = tpu.vector_load %arg8[%get3A_379, %get3A_380] {strides = array<i32>} : memref<64x512xf32, #tpu.memory_space<vmem>>, vector<16xf32>,
              %mul3A_382 = arith.constant 16 : i32
              %mul3A_383 = arith.muli %scan3A_68, %mul3A_382 : i32
              %add3A_384 = arith.constant 2 : i32
              %add3A_385 = arith.addi %mul3A_383, %add3A_384 : i32
              %get3A_386 = arith.index_cast %add3A_385 : i32 to index
              %get3A_387 = arith.index_cast %mul3A_367 : i32 to index
              %get3A_388 = tpu.vector_load %arg8[%get3A_386, %get3A_387] {strides = array<i32>} : memref<64x512xf32, #tpu.memory_space<vmem>>, vector<16xf32>,
              %mul3A_389 = arith.constant 16 : i32
              %mul3A_390 = arith.muli %scan3A_68, %mul3A_389 : i32
              %add3A_391 = arith.constant 3 : i32
              %add3A_392 = arith.addi %mul3A_390, %add3A_391 : i32
              %get3A_393 = arith.index_cast %add3A_392 : i32 to index
              %get3A_394 = arith.index_cast %mul3A_367 : i32 to index
              %get3A_395 = tpu.vector_load %arg8[%get3A_393, %get3A_394] {strides = array<i32>} : memref<64x512xf32, #tpu.memory_space<vmem>>, vector<16xf32>,
              %mul3A_396 = arith.constant 16 : i32
              %mul3A_397 = arith.muli %scan3A_68, %mul3A_396 : i32
              %add3A_398 = arith.constant 4 : i32
              %add3A_399 = arith.addi %mul3A_397, %add3A_398 : i32
              %get3A_400 = arith.index_cast %add3A_399 : i32 to index
              %get3A_401 = arith.index_cast %mul3A_367 : i32 to index
              %get3A_402 = tpu.vector_load %arg8[%get3A_400, %get3A_401] {strides = array<i32>} : memref<64x512xf32, #tpu.memory_space<vmem>>, vector<16xf32>,
              %mul3A_403 = arith.constant 16 : i32
              %mul3A_404 = arith.muli %scan3A_68, %mul3A_403 : i32
              %add3A_405 = arith.constant 5 : i32
              %add3A_406 = arith.addi %mul3A_404, %add3A_405 : i32
              %get3A_407 = arith.index_cast %add3A_406 : i32 to index
              %get3A_408 = arith.index_cast %mul3A_367 : i32 to index
              %get3A_409 = tpu.vector_load %arg8[%get3A_407, %get3A_408] {strides = array<i32>} : memref<64x512xf32, #tpu.memory_space<vmem>>, vector<16xf32>,
              %mul3A_410 = arith.constant 16 : i32
              %mul3A_411 = arith.muli %scan3A_68, %mul3A_410 : i32
              %add3A_412 = arith.constant 6 : i32
              %add3A_413 = arith.addi %mul3A_411, %add3A_412 : i32
              %get3A_414 = arith.index_cast %add3A_413 : i32 to index
              %get3A_415 = arith.index_cast %mul3A_367 : i32 to index
              %get3A_416 = tpu.vector_load %arg8[%get3A_414, %get3A_415] {strides = array<i32>} : memref<64x512xf32, #tpu.memory_space<vmem>>, vector<16xf32>,
              %mul3A_417 = arith.constant 16 : i32
              %mul3A_418 = arith.muli %scan3A_68, %mul3A_417 : i32
              %add3A_419 = arith.constant 7 : i32
              %add3A_420 = arith.addi %mul3A_418, %add3A_419 : i32
              %get3A_421 = arith.index_cast %add3A_420 : i32 to index
              %get3A_422 = arith.index_cast %mul3A_367 : i32 to index
              %get3A_423 = tpu.vector_load %arg8[%get3A_421, %get3A_422] {strides = array<i32>} : memref<64x512xf32, #tpu.memory_space<vmem>>, vector<16xf32>,
              %mul3A_424 = arith.constant 16 : i32
              %mul3A_425 = arith.muli %scan3A_68, %mul3A_424 : i32
              %add3A_426 = arith.constant 8 : i32
              %add3A_427 = arith.addi %mul3A_425, %add3A_426 : i32
              %get3A_428 = arith.index_cast %add3A_427 : i32 to index
              %get3A_429 = arith.index_cast %mul3A_367 : i32 to index
              %get3A_430 = tpu.vector_load %arg8[%get3A_428, %get3A_429] {strides = array<i32>} : memref<64x512xf32, #tpu.memory_space<vmem>>, vector<16xf32>,
              %mul3A_431 = arith.constant 16 : i32
              %mul3A_432 = arith.muli %scan3A_68, %mul3A_431 : i32
              %add3A_433 = arith.constant 9 : i32
              %add3A_434 = arith.addi %mul3A_432, %add3A_433 : i32
              %get3A_435 = arith.index_cast %add3A_434 : i32 to index
              %get3A_436 = arith.index_cast %mul3A_367 : i32 to index
              %get3A_437 = tpu.vector_load %arg8[%get3A_435, %get3A_436] {strides = array<i32>} : memref<64x512xf32, #tpu.memory_space<vmem>>, vector<16xf32>,
              %mul3A_438 = arith.constant 16 : i32
              %mul3A_439 = arith.muli %scan3A_68, %mul3A_438 : i32
              %add3A_440 = arith.constant 10 : i32
              %add3A_441 = arith.addi %mul3A_439, %add3A_440 : i32
              %get3A_442 = arith.index_cast %add3A_441 : i32 to index
              %get3A_443 = arith.index_cast %mul3A_367 : i32 to index
              %get3A_444 = tpu.vector_load %arg8[%get3A_442, %get3A_443] {strides = array<i32>} : memref<64x512xf32, #tpu.memory_space<vmem>>, vector<16xf32>,
              %mul3A_445 = arith.constant 16 : i32
              %mul3A_446 = arith.muli %scan3A_68, %mul3A_445 : i32
              %add3A_447 = arith.constant 11 : i32
              %add3A_448 = arith.addi %mul3A_446, %add3A_447 : i32
              %get3A_449 = arith.index_cast %add3A_448 : i32 to index
              %get3A_450 = arith.index_cast %mul3A_367 : i32 to index
              %get3A_451 = tpu.vector_load %arg8[%get3A_449, %get3A_450] {strides = array<i32>} : memref<64x512xf32, #tpu.memory_space<vmem>>, vector<16xf32>,
              %mul3A_452 = arith.constant 16 : i32
              %mul3A_453 = arith.muli %scan3A_68, %mul3A_452 : i32
              %add3A_454 = arith.constant 12 : i32
              %add3A_455 = arith.addi %mul3A_453, %add3A_454 : i32
              %get3A_456 = arith.index_cast %add3A_455 : i32 to index
              %get3A_457 = arith.index_cast %mul3A_367 : i32 to index
              %get3A_458 = tpu.vector_load %arg8[%get3A_456, %get3A_457] {strides = array<i32>} : memref<64x512xf32, #tpu.memory_space<vmem>>, vector<16xf32>,
              %mul3A_459 = arith.constant 16 : i32
              %mul3A_460 = arith.muli %scan3A_68, %mul3A_459 : i32
              %add3A_461 = arith.constant 13 : i32
              %add3A_462 = arith.addi %mul3A_460, %add3A_461 : i32
              %get3A_463 = arith.index_cast %add3A_462 : i32 to index
              %get3A_464 = arith.index_cast %mul3A_367 : i32 to index
              %get3A_465 = tpu.vector_load %arg8[%get3A_463, %get3A_464] {strides = array<i32>} : memref<64x512xf32, #tpu.memory_space<vmem>>, vector<16xf32>,
              %mul3A_466 = arith.constant 16 : i32
              %mul3A_467 = arith.muli %scan3A_68, %mul3A_466 : i32
              %add3A_468 = arith.constant 14 : i32
              %add3A_469 = arith.addi %mul3A_467, %add3A_468 : i32
              %get3A_470 = arith.index_cast %add3A_469 : i32 to index
              %get3A_471 = arith.index_cast %mul3A_367 : i32 to index
              %get3A_472 = tpu.vector_load %arg8[%get3A_470, %get3A_471] {strides = array<i32>} : memref<64x512xf32, #tpu.memory_space<vmem>>, vector<16xf32>,
              %mul3A_473 = arith.constant 16 : i32
              %mul3A_474 = arith.muli %scan3A_68, %mul3A_473 : i32
              %add3A_475 = arith.constant 15 : i32
              %add3A_476 = arith.addi %mul3A_474, %add3A_475 : i32
              %get3A_477 = arith.index_cast %add3A_476 : i32 to index
              %get3A_478 = arith.index_cast %mul3A_367 : i32 to index
              %get3A_479 = tpu.vector_load %arg8[%get3A_477, %get3A_478] {strides = array<i32>} : memref<64x512xf32, #tpu.memory_space<vmem>>, vector<16xf32>,
              %add3A_480 = arith.addf %get3A_374, %get3A_381 : vector<16xf32>
              %add3A_481 = arith.addf %get3A_388, %get3A_395 : vector<16xf32>
              %add3A_482 = arith.addf %get3A_402, %get3A_409 : vector<16xf32>
              %add3A_483 = arith.addf %get3A_416, %get3A_423 : vector<16xf32>
              %add3A_484 = arith.addf %get3A_430, %get3A_437 : vector<16xf32>
              %add3A_485 = arith.addf %get3A_444, %get3A_451 : vector<16xf32>
              %add3A_486 = arith.addf %get3A_458, %get3A_465 : vector<16xf32>
              %add3A_487 = arith.addf %get3A_472, %get3A_479 : vector<16xf32>
              %add3A_488 = arith.addf %add3A_480, %add3A_481 : vector<16xf32>
              %add3A_489 = arith.addf %add3A_482, %add3A_483 : vector<16xf32>
              %add3A_490 = arith.addf %add3A_484, %add3A_485 : vector<16xf32>
              %add3A_491 = arith.addf %add3A_486, %add3A_487 : vector<16xf32>
              %add3A_492 = arith.addf %add3A_488, %add3A_489 : vector<16xf32>
              %add3A_493 = arith.addf %add3A_490, %add3A_491 : vector<16xf32>
              %add3A_494 = arith.addf %add3A_492, %add3A_493 : vector<16xf32>
              %select_n3A_495 = arith.select %eq3A_141, %get3A_374, %broadcast_in_dim3A_356 : vector<16xi1>, vector<16xf32>
              %select_n3A_496 = arith.select %eq3A_154, %get3A_381, %broadcast_in_dim3A_356 : vector<16xi1>, vector<16xf32>
              %select_n3A_497 = arith.select %eq3A_167, %get3A_388, %broadcast_in_dim3A_356 : vector<16xi1>, vector<16xf32>
              %select_n3A_498 = arith.select %eq3A_180, %get3A_395, %broadcast_in_dim3A_356 : vector<16xi1>, vector<16xf32>
              %select_n3A_499 = arith.select %eq3A_193, %get3A_402, %broadcast_in_dim3A_356 : vector<16xi1>, vector<16xf32>
              %select_n3A_500 = arith.select %eq3A_206, %get3A_409, %broadcast_in_dim3A_356 : vector<16xi1>, vector<16xf32>
              %select_n3A_501 = arith.select %eq3A_219, %get3A_416, %broadcast_in_dim3A_356 : vector<16xi1>, vector<16xf32>
              %select_n3A_502 = arith.select %eq3A_232, %get3A_423, %broadcast_in_dim3A_356 : vector<16xi1>, vector<16xf32>
              %select_n3A_503 = arith.select %eq3A_245, %get3A_430, %broadcast_in_dim3A_356 : vector<16xi1>, vector<16xf32>
              %select_n3A_504 = arith.select %eq3A_258, %get3A_437, %broadcast_in_dim3A_356 : vector<16xi1>, vector<16xf32>
              %select_n3A_505 = arith.select %eq3A_271, %get3A_444, %broadcast_in_dim3A_356 : vector<16xi1>, vector<16xf32>
              %select_n3A_506 = arith.select %eq3A_284, %get3A_451, %broadcast_in_dim3A_356 : vector<16xi1>, vector<16xf32>
              %select_n3A_507 = arith.select %eq3A_297, %get3A_458, %broadcast_in_dim3A_356 : vector<16xi1>, vector<16xf32>
              %select_n3A_508 = arith.select %eq3A_310, %get3A_465, %broadcast_in_dim3A_356 : vector<16xi1>, vector<16xf32>
              %select_n3A_509 = arith.select %eq3A_323, %get3A_472, %broadcast_in_dim3A_356 : vector<16xi1>, vector<16xf32>
              %select_n3A_510 = arith.select %eq3A_336, %get3A_479, %broadcast_in_dim3A_356 : vector<16xi1>, vector<16xf32>
              %add3A_511 = arith.addf %select_n3A_495, %select_n3A_496 : vector<16xf32>
              %add3A_512 = arith.addf %select_n3A_497, %select_n3A_498 : vector<16xf32>
              %add3A_513 = arith.addf %select_n3A_499, %select_n3A_500 : vector<16xf32>
              %add3A_514 = arith.addf %select_n3A_501, %select_n3A_502 : vector<16xf32>
              %add3A_515 = arith.addf %select_n3A_503, %select_n3A_504 : vector<16xf32>
              %add3A_516 = arith.addf %select_n3A_505, %select_n3A_506 : vector<16xf32>
              %add3A_517 = arith.addf %select_n3A_507, %select_n3A_508 : vector<16xf32>
              %add3A_518 = arith.addf %select_n3A_509, %select_n3A_510 : vector<16xf32>
              %add3A_519 = arith.addf %add3A_511, %add3A_512 : vector<16xf32>
              %add3A_520 = arith.addf %add3A_513, %add3A_514 : vector<16xf32>
              %add3A_521 = arith.addf %add3A_515, %add3A_516 : vector<16xf32>
              %add3A_522 = arith.addf %add3A_517, %add3A_518 : vector<16xf32>
              %add3A_523 = arith.addf %add3A_519, %add3A_520 : vector<16xf32>
              %add3A_524 = arith.addf %add3A_521, %add3A_522 : vector<16xf32>
              %add3A_525 = arith.addf %add3A_523, %add3A_524 : vector<16xf32>
              %mul3A_526 = arith.constant 16 : i32
              %mul3A_527 = arith.muli %scan3A_364, %mul3A_526 : i32
              %add3A_528 = arith.addi %mul3A_345, %mul3A_527 : i32
              %get3A_529 = arith.index_cast %add3A_528 : i32 to index
              %get3A_530 = tpu.vector_load %arg12[%get3A_529] {strides = array<i32>} : memref<32768xf32, #tpu.memory_space<vmem>>, vector<16xf32>,
              %add3A_531 = arith.addf %get3A_530, %add3A_525 : vector<16xf32>
              %swap3A = arith.index_cast %add3A_528 : i32 to index
              %swap3A_532 = tpu.vector_load %arg12[%swap3A] {strides = array<i32>} : memref<32768xf32, #tpu.memory_space<vmem>>, vector<16xf32>,
              tpu.vector_store %arg12[%swap3A], %add3A_531 {strides = array<i32>} : memref<32768xf32, #tpu.memory_space<vmem>>, vector<16xf32>,
              %mul3A_533 = arith.constant 16 : i32
              %mul3A_534 = arith.muli %scan3A_364, %mul3A_533 : i32
              %add3A_535 = arith.addi %mul3A_354, %mul3A_534 : i32
              %get3A_536 = arith.index_cast %add3A_535 : i32 to index
              %get3A_537 = tpu.vector_load %arg12[%get3A_536] {strides = array<i32>} : memref<32768xf32, #tpu.memory_space<vmem>>, vector<16xf32>,
              %sub3A = arith.subf %add3A_494, %add3A_525 : vector<16xf32>
              %add3A_538 = arith.addf %get3A_537, %sub3A : vector<16xf32>
              %swap3A_539 = arith.index_cast %add3A_535 : i32 to index
              %swap3A_540 = tpu.vector_load %arg12[%swap3A_539] {strides = array<i32>} : memref<32768xf32, #tpu.memory_space<vmem>>, vector<16xf32>,
              tpu.vector_store %arg12[%swap3A_539], %add3A_538 {strides = array<i32>} : memref<32768xf32, #tpu.memory_space<vmem>>, vector<16xf32>,
              %scan3A_541 = arith.constant 0 : i32
              %scan3A_542 = arith.constant 1 : i32
              %scan3A_543 = arith.addi %scan3A_364, %scan3A_542 : i32
              %mul3A_544 = arith.constant 16 : i32
              %mul3A_545 = arith.muli %scan3A_543, %mul3A_544 : i32
              %mul3A_546 = arith.constant 16 : i32
              %mul3A_547 = arith.muli %scan3A_68, %mul3A_546 : i32
              %add3A_548 = arith.constant 0 : i32
              %add3A_549 = arith.addi %mul3A_547, %add3A_548 : i32
              %get3A_550 = arith.index_cast %add3A_549 : i32 to index
              %get3A_551 = arith.index_cast %mul3A_545 : i32 to index
              %get3A_552 = tpu.vector_load %arg8[%get3A_550, %get3A_551] {strides = array<i32>} : memref<64x512xf32, #tpu.memory_space<vmem>>, vector<16xf32>,
              %mul3A_553 = arith.constant 16 : i32
              %mul3A_554 = arith.muli %scan3A_68, %mul3A_553 : i32
              %add3A_555 = arith.constant 1 : i32
              %add3A_556 = arith.addi %mul3A_554, %add3A_555 : i32
              %get3A_557 = arith.index_cast %add3A_556 : i32 to index
              %get3A_558 = arith.index_cast %mul3A_545 : i32 to index
              %get3A_559 = tpu.vector_load %arg8[%get3A_557, %get3A_558] {strides = array<i32>} : memref<64x512xf32, #tpu.memory_space<vmem>>, vector<16xf32>,
              %mul3A_560 = arith.constant 16 : i32
              %mul3A_561 = arith.muli %scan3A_68, %mul3A_560 : i32
              %add3A_562 = arith.constant 2 : i32
              %add3A_563 = arith.addi %mul3A_561, %add3A_562 : i32
              %get3A_564 = arith.index_cast %add3A_563 : i32 to index
              %get3A_565 = arith.index_cast %mul3A_545 : i32 to index
              %get3A_566 = tpu.vector_load %arg8[%get3A_564, %get3A_565] {strides = array<i32>} : memref<64x512xf32, #tpu.memory_space<vmem>>, vector<16xf32>,
              %mul3A_567 = arith.constant 16 : i32
              %mul3A_568 = arith.muli %scan3A_68, %mul3A_567 : i32
              %add3A_569 = arith.constant 3 : i32
              %add3A_570 = arith.addi %mul3A_568, %add3A_569 : i32
              %get3A_571 = arith.index_cast %add3A_570 : i32 to index
              %get3A_572 = arith.index_cast %mul3A_545 : i32 to index
              %get3A_573 = tpu.vector_load %arg8[%get3A_571, %get3A_572] {strides = array<i32>} : memref<64x512xf32, #tpu.memory_space<vmem>>, vector<16xf32>,
              %mul3A_574 = arith.constant 16 : i32
              %mul3A_575 = arith.muli %scan3A_68, %mul3A_574 : i32
              %add3A_576 = arith.constant 4 : i32
              %add3A_577 = arith.addi %mul3A_575, %add3A_576 : i32
              %get3A_578 = arith.index_cast %add3A_577 : i32 to index
              %get3A_579 = arith.index_cast %mul3A_545 : i32 to index
              %get3A_580 = tpu.vector_load %arg8[%get3A_578, %get3A_579] {strides = array<i32>} : memref<64x512xf32, #tpu.memory_space<vmem>>, vector<16xf32>,
              %mul3A_581 = arith.constant 16 : i32
              %mul3A_582 = arith.muli %scan3A_68, %mul3A_581 : i32
              %add3A_583 = arith.constant 5 : i32
              %add3A_584 = arith.addi %mul3A_582, %add3A_583 : i32
              %get3A_585 = arith.index_cast %add3A_584 : i32 to index
              %get3A_586 = arith.index_cast %mul3A_545 : i32 to index
              %get3A_587 = tpu.vector_load %arg8[%get3A_585, %get3A_586] {strides = array<i32>} : memref<64x512xf32, #tpu.memory_space<vmem>>, vector<16xf32>,
              %mul3A_588 = arith.constant 16 : i32
              %mul3A_589 = arith.muli %scan3A_68, %mul3A_588 : i32
              %add3A_590 = arith.constant 6 : i32
              %add3A_591 = arith.addi %mul3A_589, %add3A_590 : i32
              %get3A_592 = arith.index_cast %add3A_591 : i32 to index
              %get3A_593 = arith.index_cast %mul3A_545 : i32 to index
              %get3A_594 = tpu.vector_load %arg8[%get3A_592, %get3A_593] {strides = array<i32>} : memref<64x512xf32, #tpu.memory_space<vmem>>, vector<16xf32>,
              %mul3A_595 = arith.constant 16 : i32
              %mul3A_596 = arith.muli %scan3A_68, %mul3A_595 : i32
              %add3A_597 = arith.constant 7 : i32
              %add3A_598 = arith.addi %mul3A_596, %add3A_597 : i32
              %get3A_599 = arith.index_cast %add3A_598 : i32 to index
              %get3A_600 = arith.index_cast %mul3A_545 : i32 to index
              %get3A_601 = tpu.vector_load %arg8[%get3A_599, %get3A_600] {strides = array<i32>} : memref<64x512xf32, #tpu.memory_space<vmem>>, vector<16xf32>,
              %mul3A_602 = arith.constant 16 : i32
              %mul3A_603 = arith.muli %scan3A_68, %mul3A_602 : i32
              %add3A_604 = arith.constant 8 : i32
              %add3A_605 = arith.addi %mul3A_603, %add3A_604 : i32
              %get3A_606 = arith.index_cast %add3A_605 : i32 to index
              %get3A_607 = arith.index_cast %mul3A_545 : i32 to index
              %get3A_608 = tpu.vector_load %arg8[%get3A_606, %get3A_607] {strides = array<i32>} : memref<64x512xf32, #tpu.memory_space<vmem>>, vector<16xf32>,
              %mul3A_609 = arith.constant 16 : i32
              %mul3A_610 = arith.muli %scan3A_68, %mul3A_609 : i32
              %add3A_611 = arith.constant 9 : i32
              %add3A_612 = arith.addi %mul3A_610, %add3A_611 : i32
              %get3A_613 = arith.index_cast %add3A_612 : i32 to index
              %get3A_614 = arith.index_cast %mul3A_545 : i32 to index
              %get3A_615 = tpu.vector_load %arg8[%get3A_613, %get3A_614] {strides = array<i32>} : memref<64x512xf32, #tpu.memory_space<vmem>>, vector<16xf32>,
              %mul3A_616 = arith.constant 16 : i32
              %mul3A_617 = arith.muli %scan3A_68, %mul3A_616 : i32
              %add3A_618 = arith.constant 10 : i32
              %add3A_619 = arith.addi %mul3A_617, %add3A_618 : i32
              %get3A_620 = arith.index_cast %add3A_619 : i32 to index
              %get3A_621 = arith.index_cast %mul3A_545 : i32 to index
              %get3A_622 = tpu.vector_load %arg8[%get3A_620, %get3A_621] {strides = array<i32>} : memref<64x512xf32, #tpu.memory_space<vmem>>, vector<16xf32>,
              %mul3A_623 = arith.constant 16 : i32
              %mul3A_624 = arith.muli %scan3A_68, %mul3A_623 : i32
              %add3A_625 = arith.constant 11 : i32
              %add3A_626 = arith.addi %mul3A_624, %add3A_625 : i32
              %get3A_627 = arith.index_cast %add3A_626 : i32 to index
              %get3A_628 = arith.index_cast %mul3A_545 : i32 to index
              %get3A_629 = tpu.vector_load %arg8[%get3A_627, %get3A_628] {strides = array<i32>} : memref<64x512xf32, #tpu.memory_space<vmem>>, vector<16xf32>,
              %mul3A_630 = arith.constant 16 : i32
              %mul3A_631 = arith.muli %scan3A_68, %mul3A_630 : i32
              %add3A_632 = arith.constant 12 : i32
              %add3A_633 = arith.addi %mul3A_631, %add3A_632 : i32
              %get3A_634 = arith.index_cast %add3A_633 : i32 to index
              %get3A_635 = arith.index_cast %mul3A_545 : i32 to index
              %get3A_636 = tpu.vector_load %arg8[%get3A_634, %get3A_635] {strides = array<i32>} : memref<64x512xf32, #tpu.memory_space<vmem>>, vector<16xf32>,
              %mul3A_637 = arith.constant 16 : i32
              %mul3A_638 = arith.muli %scan3A_68, %mul3A_637 : i32
              %add3A_639 = arith.constant 13 : i32
              %add3A_640 = arith.addi %mul3A_638, %add3A_639 : i32
              %get3A_641 = arith.index_cast %add3A_640 : i32 to index
              %get3A_642 = arith.index_cast %mul3A_545 : i32 to index
              %get3A_643 = tpu.vector_load %arg8[%get3A_641, %get3A_642] {strides = array<i32>} : memref<64x512xf32, #tpu.memory_space<vmem>>, vector<16xf32>,
              %mul3A_644 = arith.constant 16 : i32
              %mul3A_645 = arith.muli %scan3A_68, %mul3A_644 : i32
              %add3A_646 = arith.constant 14 : i32
              %add3A_647 = arith.addi %mul3A_645, %add3A_646 : i32
              %get3A_648 = arith.index_cast %add3A_647 : i32 to index
              %get3A_649 = arith.index_cast %mul3A_545 : i32 to index
              %get3A_650 = tpu.vector_load %arg8[%get3A_648, %get3A_649] {strides = array<i32>} : memref<64x512xf32, #tpu.memory_space<vmem>>, vector<16xf32>,
              %mul3A_651 = arith.constant 16 : i32
              %mul3A_652 = arith.muli %scan3A_68, %mul3A_651 : i32
              %add3A_653 = arith.constant 15 : i32
              %add3A_654 = arith.addi %mul3A_652, %add3A_653 : i32
              %get3A_655 = arith.index_cast %add3A_654 : i32 to index
              %get3A_656 = arith.index_cast %mul3A_545 : i32 to index
              %get3A_657 = tpu.vector_load %arg8[%get3A_655, %get3A_656] {strides = array<i32>} : memref<64x512xf32, #tpu.memory_space<vmem>>, vector<16xf32>,
              %add3A_658 = arith.addf %get3A_552, %get3A_559 : vector<16xf32>
              %add3A_659 = arith.addf %get3A_566, %get3A_573 : vector<16xf32>
              %add3A_660 = arith.addf %get3A_580, %get3A_587 : vector<16xf32>
              %add3A_661 = arith.addf %get3A_594, %get3A_601 : vector<16xf32>
              %add3A_662 = arith.addf %get3A_608, %get3A_615 : vector<16xf32>
              %add3A_663 = arith.addf %get3A_622, %get3A_629 : vector<16xf32>
              %add3A_664 = arith.addf %get3A_636, %get3A_643 : vector<16xf32>
              %add3A_665 = arith.addf %get3A_650, %get3A_657 : vector<16xf32>
              %add3A_666 = arith.addf %add3A_658, %add3A_659 : vector<16xf32>
              %add3A_667 = arith.addf %add3A_660, %add3A_661 : vector<16xf32>
              %add3A_668 = arith.addf %add3A_662, %add3A_663 : vector<16xf32>
              %add3A_669 = arith.addf %add3A_664, %add3A_665 : vector<16xf32>
              %add3A_670 = arith.addf %add3A_666, %add3A_667 : vector<16xf32>
              %add3A_671 = arith.addf %add3A_668, %add3A_669 : vector<16xf32>
              %add3A_672 = arith.addf %add3A_670, %add3A_671 : vector<16xf32>
              %select_n3A_673 = arith.select %eq3A_141, %get3A_552, %broadcast_in_dim3A_356 : vector<16xi1>, vector<16xf32>
              %select_n3A_674 = arith.select %eq3A_154, %get3A_559, %broadcast_in_dim3A_356 : vector<16xi1>, vector<16xf32>
              %select_n3A_675 = arith.select %eq3A_167, %get3A_566, %broadcast_in_dim3A_356 : vector<16xi1>, vector<16xf32>
              %select_n3A_676 = arith.select %eq3A_180, %get3A_573, %broadcast_in_dim3A_356 : vector<16xi1>, vector<16xf32>
              %select_n3A_677 = arith.select %eq3A_193, %get3A_580, %broadcast_in_dim3A_356 : vector<16xi1>, vector<16xf32>
              %select_n3A_678 = arith.select %eq3A_206, %get3A_587, %broadcast_in_dim3A_356 : vector<16xi1>, vector<16xf32>
              %select_n3A_679 = arith.select %eq3A_219, %get3A_594, %broadcast_in_dim3A_356 : vector<16xi1>, vector<16xf32>
              %select_n3A_680 = arith.select %eq3A_232, %get3A_601, %broadcast_in_dim3A_356 : vector<16xi1>, vector<16xf32>
              %select_n3A_681 = arith.select %eq3A_245, %get3A_608, %broadcast_in_dim3A_356 : vector<16xi1>, vector<16xf32>
              %select_n3A_682 = arith.select %eq3A_258, %get3A_615, %broadcast_in_dim3A_356 : vector<16xi1>, vector<16xf32>
              %select_n3A_683 = arith.select %eq3A_271, %get3A_622, %broadcast_in_dim3A_356 : vector<16xi1>, vector<16xf32>
              %select_n3A_684 = arith.select %eq3A_284, %get3A_629, %broadcast_in_dim3A_356 : vector<16xi1>, vector<16xf32>
              %select_n3A_685 = arith.select %eq3A_297, %get3A_636, %broadcast_in_dim3A_356 : vector<16xi1>, vector<16xf32>
              %select_n3A_686 = arith.select %eq3A_310, %get3A_643, %broadcast_in_dim3A_356 : vector<16xi1>, vector<16xf32>
              %select_n3A_687 = arith.select %eq3A_323, %get3A_650, %broadcast_in_dim3A_356 : vector<16xi1>, vector<16xf32>
              %select_n3A_688 = arith.select %eq3A_336, %get3A_657, %broadcast_in_dim3A_356 : vector<16xi1>, vector<16xf32>
              %add3A_689 = arith.addf %select_n3A_673, %select_n3A_674 : vector<16xf32>
              %add3A_690 = arith.addf %select_n3A_675, %select_n3A_676 : vector<16xf32>
              %add3A_691 = arith.addf %select_n3A_677, %select_n3A_678 : vector<16xf32>
              %add3A_692 = arith.addf %select_n3A_679, %select_n3A_680 : vector<16xf32>
              %add3A_693 = arith.addf %select_n3A_681, %select_n3A_682 : vector<16xf32>
              %add3A_694 = arith.addf %select_n3A_683, %select_n3A_684 : vector<16xf32>
              %add3A_695 = arith.addf %select_n3A_685, %select_n3A_686 : vector<16xf32>
              %add3A_696 = arith.addf %select_n3A_687, %select_n3A_688 : vector<16xf32>
              %add3A_697 = arith.addf %add3A_689, %add3A_690 : vector<16xf32>
              %add3A_698 = arith.addf %add3A_691, %add3A_692 : vector<16xf32>
              %add3A_699 = arith.addf %add3A_693, %add3A_694 : vector<16xf32>
              %add3A_700 = arith.addf %add3A_695, %add3A_696 : vector<16xf32>
              %add3A_701 = arith.addf %add3A_697, %add3A_698 : vector<16xf32>
              %add3A_702 = arith.addf %add3A_699, %add3A_700 : vector<16xf32>
              %add3A_703 = arith.addf %add3A_701, %add3A_702 : vector<16xf32>
              %mul3A_704 = arith.constant 16 : i32
              %mul3A_705 = arith.muli %scan3A_543, %mul3A_704 : i32
              %add3A_706 = arith.addi %mul3A_345, %mul3A_705 : i32
              %get3A_707 = arith.index_cast %add3A_706 : i32 to index
              %get3A_708 = tpu.vector_load %arg12[%get3A_707] {strides = array<i32>} : memref<32768xf32, #tpu.memory_space<vmem>>, vector<16xf32>,
              %add3A_709 = arith.addf %get3A_708, %add3A_703 : vector<16xf32>
              %swap3A_710 = arith.index_cast %add3A_706 : i32 to index
              %swap3A_711 = tpu.vector_load %arg12[%swap3A_710] {strides = array<i32>} : memref<32768xf32, #tpu.memory_space<vmem>>, vector<16xf32>,
              tpu.vector_store %arg12[%swap3A_710], %add3A_709 {strides = array<i32>} : memref<32768xf32, #tpu.memory_space<vmem>>, vector<16xf32>,
              %mul3A_712 = arith.constant 16 : i32
              %mul3A_713 = arith.muli %scan3A_543, %mul3A_712 : i32
              %add3A_714 = arith.addi %mul3A_354, %mul3A_713 : i32
              %get3A_715 = arith.index_cast %add3A_714 : i32 to index
              %get3A_716 = tpu.vector_load %arg12[%get3A_715] {strides = array<i32>} : memref<32768xf32, #tpu.memory_space<vmem>>, vector<16xf32>,
              %sub3A_717 = arith.subf %add3A_672, %add3A_703 : vector<16xf32>
              %add3A_718 = arith.addf %get3A_716, %sub3A_717 : vector<16xf32>
              %swap3A_719 = arith.index_cast %add3A_714 : i32 to index
              %swap3A_720 = tpu.vector_load %arg12[%swap3A_719] {strides = array<i32>} : memref<32768xf32, #tpu.memory_space<vmem>>, vector<16xf32>,
              tpu.vector_store %arg12[%swap3A_719], %add3A_718 {strides = array<i32>} : memref<32768xf32, #tpu.memory_space<vmem>>, vector<16xf32>,
              %scan3A_721 = arith.constant 0 : i32
              scf.yield %scan3A_721 : i32
            }
            %scan3A_363 = arith.constant 32 : i32
          } else {
            %scan3A_129 = arith.constant 0 : i32
            %scan3A_130 = arith.constant 0 : i32
            %scan3A_131 = arith.constant 16 : i32
            %scan3A_132 = arith.addi %scan3A_130, %scan3A_131 : i32
            %scan3A_133 = arith.constant 1 : i32
            %scan3A_134 = scf.for %scan3A_136 = %scan3A_130 to %scan3A_132 step %scan3A_133 iter_args(%scan3A_137 = %scan3A_129) -> (i32)  : i32 {
              %broadcast_in_dim3A_138 = vector.broadcast %scan3A_136 : i32 to vector<16xi32>
              %lt3A_139 = arith.constant 0 : i32
              %lt3A_140 = vector.broadcast %lt3A_139 : i32 to vector<16xi32>
              %lt3A_141 = arith.cmpi slt, %broadcast_in_dim3A_138, %lt3A_140 : vector<16xi32>
              %add3A_142 = arith.constant 16 : i32
              %add3A_143 = vector.broadcast %add3A_142 : i32 to vector<16xi32>
              %add3A_144 = arith.addi %broadcast_in_dim3A_138, %add3A_143 : vector<16xi32>
              %select_n3A_145 = arith.select %lt3A_141, %add3A_144, %broadcast_in_dim3A_138 : vector<16xi1>, vector<16xi32>
              %broadcast_in_dim3A_146 = vector.shape_cast %select_n3A_145 : vector<16xi32> to vector<16x1xi32>
              %gather3A_147 = vector.shape_cast %broadcast_in_dim3A_146 : vector<16x1xi32> to vector<16xi32>
              %gather3A_148 = tpu.dynamic_gather %get3A_72[%gather3A_147] in [0] : vector<16xi32>, vector<16xi32> -> vector<16xi32>
              %mul3A_149 = arith.constant 512 : i32
              %mul3A_150 = vector.broadcast %mul3A_149 : i32 to vector<16xi32>
              %mul3A_151 = arith.muli %gather3A_148, %mul3A_150 : vector<16xi32>
              %add3A_152 = arith.addi %mul3A_151, %iota3A : vector<16xi32>
              %scan3A_153 = arith.constant 0 : i32
              %scan3A_154 = arith.constant 0 : i32
              %scan3A_155 = arith.constant 32 : i32
              %scan3A_156 = arith.addi %scan3A_154, %scan3A_155 : i32
              %scan3A_157 = arith.constant 4 : i32
              %scan3A_158 = scf.for %scan3A_161 = %scan3A_154 to %scan3A_156 step %scan3A_157 iter_args(%scan3A_162 = %scan3A_153) -> (i32)  : i32 {
                %mul3A_163 = arith.constant 16 : i32
                %mul3A_164 = arith.muli %scan3A_68, %mul3A_163 : i32
                %add3A_165 = arith.addi %mul3A_164, %scan3A_136 : i32
                %mul3A_166 = arith.constant 16 : i32
                %mul3A_167 = arith.muli %scan3A_161, %mul3A_166 : i32
                %get3A_168 = arith.index_cast %add3A_165 : i32 to index
                %get3A_169 = arith.index_cast %mul3A_167 : i32 to index
                %get3A_170 = tpu.vector_load %arg8[%get3A_168, %get3A_169] {strides = array<i32>} : memref<64x512xf32, #tpu.memory_space<vmem>>, vector<16xf32>,
                %mul3A_171 = arith.constant 16 : i32
                %mul3A_172 = arith.muli %scan3A_161, %mul3A_171 : i32
                %add3A_173 = vector.broadcast %mul3A_172 : i32 to vector<16xi32>
                %add3A_174 = arith.addi %add3A_152, %add3A_173 : vector<16xi32>
                tpu.vector_store_idx %arg12[%add3A_174], %get3A_170 {add = true} : memref<32768xf32, #tpu.memory_space<vmem>>[vector<16xi32>], vector<16xf32>,
                %scan3A_175 = arith.constant 0 : i32
                %scan3A_176 = arith.constant 1 : i32
                %scan3A_177 = arith.addi %scan3A_161, %scan3A_176 : i32
                %mul3A_178 = arith.constant 16 : i32
                %mul3A_179 = arith.muli %scan3A_68, %mul3A_178 : i32
                %add3A_180 = arith.addi %mul3A_179, %scan3A_136 : i32
                %mul3A_181 = arith.constant 16 : i32
                %mul3A_182 = arith.muli %scan3A_177, %mul3A_181 : i32
                %get3A_183 = arith.index_cast %add3A_180 : i32 to index
                %get3A_184 = arith.index_cast %mul3A_182 : i32 to index
                %get3A_185 = tpu.vector_load %arg8[%get3A_183, %get3A_184] {strides = array<i32>} : memref<64x512xf32, #tpu.memory_space<vmem>>, vector<16xf32>,
                %mul3A_186 = arith.constant 16 : i32
                %mul3A_187 = arith.muli %scan3A_177, %mul3A_186 : i32
                %add3A_188 = vector.broadcast %mul3A_187 : i32 to vector<16xi32>
                %add3A_189 = arith.addi %add3A_152, %add3A_188 : vector<16xi32>
                tpu.vector_store_idx %arg12[%add3A_189], %get3A_185 {add = true} : memref<32768xf32, #tpu.memory_space<vmem>>[vector<16xi32>], vector<16xf32>,
                %scan3A_190 = arith.constant 0 : i32
                %scan3A_191 = arith.constant 2 : i32
                %scan3A_192 = arith.addi %scan3A_161, %scan3A_191 : i32
                %mul3A_193 = arith.constant 16 : i32
                %mul3A_194 = arith.muli %scan3A_68, %mul3A_193 : i32
                %add3A_195 = arith.addi %mul3A_194, %scan3A_136 : i32
                %mul3A_196 = arith.constant 16 : i32
                %mul3A_197 = arith.muli %scan3A_192, %mul3A_196 : i32
                %get3A_198 = arith.index_cast %add3A_195 : i32 to index
                %get3A_199 = arith.index_cast %mul3A_197 : i32 to index
                %get3A_200 = tpu.vector_load %arg8[%get3A_198, %get3A_199] {strides = array<i32>} : memref<64x512xf32, #tpu.memory_space<vmem>>, vector<16xf32>,
                %mul3A_201 = arith.constant 16 : i32
                %mul3A_202 = arith.muli %scan3A_192, %mul3A_201 : i32
                %add3A_203 = vector.broadcast %mul3A_202 : i32 to vector<16xi32>
                %add3A_204 = arith.addi %add3A_152, %add3A_203 : vector<16xi32>
                tpu.vector_store_idx %arg12[%add3A_204], %get3A_200 {add = true} : memref<32768xf32, #tpu.memory_space<vmem>>[vector<16xi32>], vector<16xf32>,
                %scan3A_205 = arith.constant 0 : i32
                %scan3A_206 = arith.constant 3 : i32
                %scan3A_207 = arith.addi %scan3A_161, %scan3A_206 : i32
                %mul3A_208 = arith.constant 16 : i32
                %mul3A_209 = arith.muli %scan3A_68, %mul3A_208 : i32
                %add3A_210 = arith.addi %mul3A_209, %scan3A_136 : i32
                %mul3A_211 = arith.constant 16 : i32
                %mul3A_212 = arith.muli %scan3A_207, %mul3A_211 : i32
                %get3A_213 = arith.index_cast %add3A_210 : i32 to index
                %get3A_214 = arith.index_cast %mul3A_212 : i32 to index
                %get3A_215 = tpu.vector_load %arg8[%get3A_213, %get3A_214] {strides = array<i32>} : memref<64x512xf32, #tpu.memory_space<vmem>>, vector<16xf32>,
                %mul3A_216 = arith.constant 16 : i32
                %mul3A_217 = arith.muli %scan3A_207, %mul3A_216 : i32
                %add3A_218 = vector.broadcast %mul3A_217 : i32 to vector<16xi32>
                %add3A_219 = arith.addi %add3A_152, %add3A_218 : vector<16xi32>
                tpu.vector_store_idx %arg12[%add3A_219], %get3A_215 {add = true} : memref<32768xf32, #tpu.memory_space<vmem>>[vector<16xi32>], vector<16xf32>,
                %scan3A_220 = arith.constant 0 : i32
                scf.yield %scan3A_220 : i32
              }
              %scan3A_159 = arith.constant 32 : i32
              %scan3A_160 = arith.constant 0 : i32
              scf.yield %scan3A_160 : i32
            }
            %scan3A_135 = arith.constant 16 : i32
          }
        }
        %scan3A_112 = arith.constant 0 : i32
        scf.yield %scan3A_112 : i32
      }
      %scan3A_42 = arith.constant 4 : i32
      %lt3A = arith.constant 1 : i32
      %lt3A_43 = arith.cmpi slt, %scan3A_25, %lt3A : i32
      %convert_element_type3A = arith.extui %lt3A_43 : i1 to i32
      %cond3A = arith.constant 0 : i32
      %cond3A_44 = arith.cmpi ne, %convert_element_type3A, %cond3A : i32
      scf.if %cond3A_44 {
        %mul3A_68 = arith.constant 2 : i32
        %mul3A_69 = arith.muli %mul3A_68, %scan3A_25 : i32
        %add3A_70 = arith.constant 2 : i32
        %add3A_71 = arith.addi %mul3A_69, %add3A_70 : i32
        %mul3A_72 = arith.constant 64 : i32
        %mul3A_73 = arith.muli %add3A_71, %mul3A_72 : i32
        %add3A_74 = arith.addi %mul3A_3, %mul3A_73 : i32
        %dma_start3A_75 = arith.constant 0 : i32
        %dma_start3A_76 = tpu.memref_slice %arg2[%add3A_74, %dma_start3A_75] : memref<8192x512xf32, #tpu.memory_space<hbm>> -> memref<64x512xf32, #tpu.memory_space<hbm>>
        %dma_start3A_77 = arith.constant 0 : i32
        %dma_start3A_78 = tpu.memref_slice %arg2[%add3A_74, %dma_start3A_77] : memref<8192x512xf32, #tpu.memory_space<hbm>> -> memref<64x512xf32, #tpu.memory_space<hbm>>
        tpu.enqueue_dma source(%dma_start3A_78 : memref<64x512xf32, #tpu.memory_space<hbm>>) target(%arg8 : memref<64x512xf32, #tpu.memory_space<vmem>>) target_semaphore(%arg14 : memref<!tpu.dma_semaphore, #tpu.memory_space<semaphore_mem>>)
        %dma_start3A_79 = tpu.memref_slice %arg3[%add3A_74] : memref<8192xi32, #tpu.memory_space<hbm>> -> memref<64xi32, #tpu.memory_space<hbm>>
        %dma_start3A_80 = tpu.memref_slice %arg3[%add3A_74] : memref<8192xi32, #tpu.memory_space<hbm>> -> memref<64xi32, #tpu.memory_space<hbm>>
        tpu.enqueue_dma source(%dma_start3A_80 : memref<64xi32, #tpu.memory_space<hbm>>) target(%arg10 : memref<64xi32, #tpu.memory_space<vmem>>) target_semaphore(%arg16 : memref<!tpu.dma_semaphore, #tpu.memory_space<semaphore_mem>>)
      } else {
      }
      %dma_wait3A_45 = arith.constant 0 : i32
      %dma_wait3A_46 = arith.constant 0 : i32
      %dma_wait3A_47 = tpu.memref_slice %arg2[%dma_wait3A_45, %dma_wait3A_46] : memref<8192x512xf32, #tpu.memory_space<hbm>> -> memref<64x512xf32, #tpu.memory_space<hbm>>
      %dma_wait3A_48 = arith.constant 0 : i32
      %dma_wait3A_49 = arith.constant 0 : i32
      %dma_wait3A_50 = tpu.memref_slice %arg2[%dma_wait3A_48, %dma_wait3A_49] : memref<8192x512xf32, #tpu.memory_space<hbm>> -> memref<64x512xf32, #tpu.memory_space<hbm>>
      tpu.wait_dma2 semaphore(%arg15 : memref<!tpu.dma_semaphore, #tpu.memory_space<semaphore_mem>>) src(%dma_wait3A_50 : memref<64x512xf32, #tpu.memory_space<hbm>>) dst(%arg9 : memref<64x512xf32, #tpu.memory_space<vmem>>)
      %dma_wait3A_51 = arith.constant 0 : i32
      %dma_wait3A_52 = tpu.memref_slice %arg3[%dma_wait3A_51] : memref<8192xi32, #tpu.memory_space<hbm>> -> memref<64xi32, #tpu.memory_space<hbm>>
      %dma_wait3A_53 = arith.constant 0 : i32
      %dma_wait3A_54 = tpu.memref_slice %arg3[%dma_wait3A_53] : memref<8192xi32, #tpu.memory_space<hbm>> -> memref<64xi32, #tpu.memory_space<hbm>>
      tpu.wait_dma2 semaphore(%arg17 : memref<!tpu.dma_semaphore, #tpu.memory_space<semaphore_mem>>) src(%dma_wait3A_54 : memref<64xi32, #tpu.memory_space<hbm>>) dst(%arg11 : memref<64xi32, #tpu.memory_space<vmem>>)
      %scan3A_55 = arith.constant 0 : i32
      %scan3A_56 = arith.constant 0 : i32
      %scan3A_57 = arith.constant 4 : i32
      %scan3A_58 = arith.addi %scan3A_56, %scan3A_57 : i32
      %scan3A_59 = arith.constant 1 : i32
      %scan3A_60 = scf.for %scan3A_68 = %scan3A_56 to %scan3A_58 step %scan3A_59 iter_args(%scan3A_69 = %scan3A_55) -> (i32)  : i32 {
        %mul3A_70 = arith.constant 16 : i32
        %mul3A_71 = arith.muli %scan3A_68, %mul3A_70 : i32
        %get3A = arith.index_cast %mul3A_71 : i32 to index
        %get3A_72 = tpu.vector_load %arg11[%get3A] {strides = array<i32>} : memref<64xi32, #tpu.memory_space<vmem>>, vector<16xi32>,
        %broadcast_in_dim3A_73 = arith.constant 0 : i32
        %broadcast_in_dim3A_74 = vector.broadcast %broadcast_in_dim3A_73 : i32 to vector<16xi32>
        %lt3A_75 = arith.constant 0 : i32
        %lt3A_76 = vector.broadcast %lt3A_75 : i32 to vector<16xi32>
        %lt3A_77 = arith.cmpi slt, %broadcast_in_dim3A_74, %lt3A_76 : vector<16xi32>
        %add3A_78 = arith.constant 16 : i32
        %add3A_79 = vector.broadcast %add3A_78 : i32 to vector<16xi32>
        %add3A_80 = arith.addi %broadcast_in_dim3A_74, %add3A_79 : vector<16xi32>
        %select_n3A = arith.select %lt3A_77, %add3A_80, %broadcast_in_dim3A_74 : vector<16xi1>, vector<16xi32>
        %broadcast_in_dim3A_81 = vector.shape_cast %select_n3A : vector<16xi32> to vector<16x1xi32>
        %gather3A = vector.shape_cast %broadcast_in_dim3A_81 : vector<16x1xi32> to vector<16xi32>
        %gather3A_82 = tpu.dynamic_gather %get3A_72[%gather3A] in [0] : vector<16xi32>, vector<16xi32> -> vector<16xi32>
        %broadcast_in_dim3A_83 = arith.constant 15 : i32
        %broadcast_in_dim3A_84 = vector.broadcast %broadcast_in_dim3A_83 : i32 to vector<16xi32>
        %lt3A_85 = arith.constant 0 : i32
        %lt3A_86 = vector.broadcast %lt3A_85 : i32 to vector<16xi32>
        %lt3A_87 = arith.cmpi slt, %broadcast_in_dim3A_84, %lt3A_86 : vector<16xi32>
        %add3A_88 = arith.constant 16 : i32
        %add3A_89 = vector.broadcast %add3A_88 : i32 to vector<16xi32>
        %add3A_90 = arith.addi %broadcast_in_dim3A_84, %add3A_89 : vector<16xi32>
        %select_n3A_91 = arith.select %lt3A_87, %add3A_90, %broadcast_in_dim3A_84 : vector<16xi1>, vector<16xi32>
        %broadcast_in_dim3A_92 = vector.shape_cast %select_n3A_91 : vector<16xi32> to vector<16x1xi32>
        %gather3A_93 = vector.shape_cast %broadcast_in_dim3A_92 : vector<16x1xi32> to vector<16xi32>
        %gather3A_94 = tpu.dynamic_gather %get3A_72[%gather3A_93] in [0] : vector<16xi32>, vector<16xi32> -> vector<16xi32>
        %mul3A_95 = arith.constant 128 : i32
        %mul3A_96 = vector.broadcast %mul3A_95 : i32 to vector<16xi32>
        %mul3A_97 = arith.muli %get3A_72, %mul3A_96 : vector<16xi32>
        %add3A_98 = arith.addi %mul3A_97, %iota3A : vector<16xi32>
        tpu.vector_store_idx %arg13[%add3A_98], %broadcast_in_dim3A_0 {add = true} : memref<8192xf32, #tpu.memory_space<vmem>>[vector<16xi32>], vector<16xf32>,
        %eq3A = arith.cmpi eq, %get3A_72, %gather3A_82 : vector<16xi32>
        %reduce_and3A = arith.constant 1.000000e+00 : f32
        %reduce_and3A_99 = arith.constant 0.000000e+00 : f32
        %reduce_and3A_100 = vector.broadcast %reduce_and3A : f32 to vector<16xf32>
        %reduce_and3A_101 = vector.broadcast %reduce_and3A_99 : f32 to vector<16xf32>
        %reduce_and3A_102 = arith.select %eq3A, %reduce_and3A_100, %reduce_and3A_101 : vector<16xi1>, vector<16xf32>
        %reduce_and3A_103 = arith.constant true
        %reduce_and3A_104 = vector.broadcast %reduce_and3A_103 : i1 to vector<16xi1>
        %reduce_and3A_105 = tpu.scan <min>, %reduce_and3A_102 masked %reduce_and3A_104 : vector<16xf32>, vector<16xi1> -> vector<16xf32>
        %reduce_and3A_106 = vector.extract %reduce_and3A_105[15] : f32 from vector<16xf32>
        %reduce_and3A_107 = arith.constant 0.000000e+00 : f32
        %reduce_and3A_108 = arith.cmpf ogt, %reduce_and3A_106, %reduce_and3A_107 : f32
        %convert_element_type3A_109 = arith.extui %reduce_and3A_108 : i1 to i32
        %cond3A_110 = arith.constant 0 : i32
        %cond3A_111 = arith.cmpi ne, %convert_element_type3A_109, %cond3A_110 : i32
        scf.if %cond3A_111 {
          %reduce_min3A = arith.constant true
          %reduce_min3A_113 = vector.broadcast %reduce_min3A : i1 to vector<16xi1>
          %reduce_min3A_114 = arith.constant -2147483648 : i32
          %reduce_min3A_115 = vector.broadcast %reduce_min3A_114 : i32 to vector<16xi32>
          %reduce_min3A_116 = arith.xori %get3A_72, %reduce_min3A_115 : vector<16xi32>
          %reduce_min3A_117 = tpu.scan <min>, %reduce_min3A_116 masked %reduce_min3A_113 : vector<16xi32>, vector<16xi1> -> vector<16xi32>
          %reduce_min3A_118 = arith.xori %reduce_min3A_117, %reduce_min3A_115 : vector<16xi32>
          %reduce_min3A_119 = vector.extract %reduce_min3A_118[15] : i32 from vector<16xi32>
          %mul3A_120 = arith.constant 512 : i32
          %mul3A_121 = arith.muli %reduce_min3A_119, %mul3A_120 : i32
        } else {
          %eq3A_113 = arith.cmpi eq, %get3A_72, %gather3A_82 : vector<16xi32>
          %eq3A_114 = arith.cmpi eq, %get3A_72, %gather3A_94 : vector<16xi32>
          %or3A = arith.ori %eq3A_113, %eq3A_114 : vector<16xi1>
          %reduce_and3A_115 = arith.constant 1.000000e+00 : f32
          %reduce_and3A_116 = arith.constant 0.000000e+00 : f32
          %reduce_and3A_117 = vector.broadcast %reduce_and3A_115 : f32 to vector<16xf32>
          %reduce_and3A_118 = vector.broadcast %reduce_and3A_116 : f32 to vector<16xf32>
          %reduce_and3A_119 = arith.select %or3A, %reduce_and3A_117, %reduce_and3A_118 : vector<16xi1>, vector<16xf32>
          %reduce_and3A_120 = arith.constant true
          %reduce_and3A_121 = vector.broadcast %reduce_and3A_120 : i1 to vector<16xi1>
          %reduce_and3A_122 = tpu.scan <min>, %reduce_and3A_119 masked %reduce_and3A_121 : vector<16xf32>, vector<16xi1> -> vector<16xf32>
          %reduce_and3A_123 = vector.extract %reduce_and3A_122[15] : f32 from vector<16xf32>
          %reduce_and3A_124 = arith.constant 0.000000e+00 : f32
          %reduce_and3A_125 = arith.cmpf ogt, %reduce_and3A_123, %reduce_and3A_124 : f32
          %convert_element_type3A_126 = arith.extui %reduce_and3A_125 : i1 to i32
          %cond3A_127 = arith.constant 0 : i32
          %cond3A_128 = arith.cmpi ne, %convert_element_type3A_126, %cond3A_127 : i32
          scf.if %cond3A_128 {
            %broadcast_in_dim3A_129 = arith.constant 0 : i32
            %broadcast_in_dim3A_130 = vector.broadcast %broadcast_in_dim3A_129 : i32 to vector<16xi32>
            %lt3A_131 = arith.constant 0 : i32
            %lt3A_132 = vector.broadcast %lt3A_131 : i32 to vector<16xi32>
            %lt3A_133 = arith.cmpi slt, %broadcast_in_dim3A_130, %lt3A_132 : vector<16xi32>
            %add3A_134 = arith.constant 16 : i32
            %add3A_135 = vector.broadcast %add3A_134 : i32 to vector<16xi32>
            %add3A_136 = arith.addi %broadcast_in_dim3A_130, %add3A_135 : vector<16xi32>
            %select_n3A_137 = arith.select %lt3A_133, %add3A_136, %broadcast_in_dim3A_130 : vector<16xi1>, vector<16xi32>
            %broadcast_in_dim3A_138 = vector.shape_cast %select_n3A_137 : vector<16xi32> to vector<16x1xi32>
            %gather3A_139 = vector.shape_cast %broadcast_in_dim3A_138 : vector<16x1xi32> to vector<16xi32>
            %gather3A_140 = tpu.dynamic_gather %get3A_72[%gather3A_139] in [0] : vector<16xi32>, vector<16xi32> -> vector<16xi32>
            %eq3A_141 = arith.cmpi eq, %gather3A_140, %gather3A_82 : vector<16xi32>
            %broadcast_in_dim3A_142 = arith.constant 1 : i32
            %broadcast_in_dim3A_143 = vector.broadcast %broadcast_in_dim3A_142 : i32 to vector<16xi32>
            %lt3A_144 = arith.constant 0 : i32
            %lt3A_145 = vector.broadcast %lt3A_144 : i32 to vector<16xi32>
            %lt3A_146 = arith.cmpi slt, %broadcast_in_dim3A_143, %lt3A_145 : vector<16xi32>
            %add3A_147 = arith.constant 16 : i32
            %add3A_148 = vector.broadcast %add3A_147 : i32 to vector<16xi32>
            %add3A_149 = arith.addi %broadcast_in_dim3A_143, %add3A_148 : vector<16xi32>
            %select_n3A_150 = arith.select %lt3A_146, %add3A_149, %broadcast_in_dim3A_143 : vector<16xi1>, vector<16xi32>
            %broadcast_in_dim3A_151 = vector.shape_cast %select_n3A_150 : vector<16xi32> to vector<16x1xi32>
            %gather3A_152 = vector.shape_cast %broadcast_in_dim3A_151 : vector<16x1xi32> to vector<16xi32>
            %gather3A_153 = tpu.dynamic_gather %get3A_72[%gather3A_152] in [0] : vector<16xi32>, vector<16xi32> -> vector<16xi32>
            %eq3A_154 = arith.cmpi eq, %gather3A_153, %gather3A_82 : vector<16xi32>
            %broadcast_in_dim3A_155 = arith.constant 2 : i32
            %broadcast_in_dim3A_156 = vector.broadcast %broadcast_in_dim3A_155 : i32 to vector<16xi32>
            %lt3A_157 = arith.constant 0 : i32
            %lt3A_158 = vector.broadcast %lt3A_157 : i32 to vector<16xi32>
            %lt3A_159 = arith.cmpi slt, %broadcast_in_dim3A_156, %lt3A_158 : vector<16xi32>
            %add3A_160 = arith.constant 16 : i32
            %add3A_161 = vector.broadcast %add3A_160 : i32 to vector<16xi32>
            %add3A_162 = arith.addi %broadcast_in_dim3A_156, %add3A_161 : vector<16xi32>
            %select_n3A_163 = arith.select %lt3A_159, %add3A_162, %broadcast_in_dim3A_156 : vector<16xi1>, vector<16xi32>
            %broadcast_in_dim3A_164 = vector.shape_cast %select_n3A_163 : vector<16xi32> to vector<16x1xi32>
            %gather3A_165 = vector.shape_cast %broadcast_in_dim3A_164 : vector<16x1xi32> to vector<16xi32>
            %gather3A_166 = tpu.dynamic_gather %get3A_72[%gather3A_165] in [0] : vector<16xi32>, vector<16xi32> -> vector<16xi32>
            %eq3A_167 = arith.cmpi eq, %gather3A_166, %gather3A_82 : vector<16xi32>
            %broadcast_in_dim3A_168 = arith.constant 3 : i32
            %broadcast_in_dim3A_169 = vector.broadcast %broadcast_in_dim3A_168 : i32 to vector<16xi32>
            %lt3A_170 = arith.constant 0 : i32
            %lt3A_171 = vector.broadcast %lt3A_170 : i32 to vector<16xi32>
            %lt3A_172 = arith.cmpi slt, %broadcast_in_dim3A_169, %lt3A_171 : vector<16xi32>
            %add3A_173 = arith.constant 16 : i32
            %add3A_174 = vector.broadcast %add3A_173 : i32 to vector<16xi32>
            %add3A_175 = arith.addi %broadcast_in_dim3A_169, %add3A_174 : vector<16xi32>
            %select_n3A_176 = arith.select %lt3A_172, %add3A_175, %broadcast_in_dim3A_169 : vector<16xi1>, vector<16xi32>
            %broadcast_in_dim3A_177 = vector.shape_cast %select_n3A_176 : vector<16xi32> to vector<16x1xi32>
            %gather3A_178 = vector.shape_cast %broadcast_in_dim3A_177 : vector<16x1xi32> to vector<16xi32>
            %gather3A_179 = tpu.dynamic_gather %get3A_72[%gather3A_178] in [0] : vector<16xi32>, vector<16xi32> -> vector<16xi32>
            %eq3A_180 = arith.cmpi eq, %gather3A_179, %gather3A_82 : vector<16xi32>
            %broadcast_in_dim3A_181 = arith.constant 4 : i32
            %broadcast_in_dim3A_182 = vector.broadcast %broadcast_in_dim3A_181 : i32 to vector<16xi32>
            %lt3A_183 = arith.constant 0 : i32
            %lt3A_184 = vector.broadcast %lt3A_183 : i32 to vector<16xi32>
            %lt3A_185 = arith.cmpi slt, %broadcast_in_dim3A_182, %lt3A_184 : vector<16xi32>
            %add3A_186 = arith.constant 16 : i32
            %add3A_187 = vector.broadcast %add3A_186 : i32 to vector<16xi32>
            %add3A_188 = arith.addi %broadcast_in_dim3A_182, %add3A_187 : vector<16xi32>
            %select_n3A_189 = arith.select %lt3A_185, %add3A_188, %broadcast_in_dim3A_182 : vector<16xi1>, vector<16xi32>
            %broadcast_in_dim3A_190 = vector.shape_cast %select_n3A_189 : vector<16xi32> to vector<16x1xi32>
            %gather3A_191 = vector.shape_cast %broadcast_in_dim3A_190 : vector<16x1xi32> to vector<16xi32>
            %gather3A_192 = tpu.dynamic_gather %get3A_72[%gather3A_191] in [0] : vector<16xi32>, vector<16xi32> -> vector<16xi32>
            %eq3A_193 = arith.cmpi eq, %gather3A_192, %gather3A_82 : vector<16xi32>
            %broadcast_in_dim3A_194 = arith.constant 5 : i32
            %broadcast_in_dim3A_195 = vector.broadcast %broadcast_in_dim3A_194 : i32 to vector<16xi32>
            %lt3A_196 = arith.constant 0 : i32
            %lt3A_197 = vector.broadcast %lt3A_196 : i32 to vector<16xi32>
            %lt3A_198 = arith.cmpi slt, %broadcast_in_dim3A_195, %lt3A_197 : vector<16xi32>
            %add3A_199 = arith.constant 16 : i32
            %add3A_200 = vector.broadcast %add3A_199 : i32 to vector<16xi32>
            %add3A_201 = arith.addi %broadcast_in_dim3A_195, %add3A_200 : vector<16xi32>
            %select_n3A_202 = arith.select %lt3A_198, %add3A_201, %broadcast_in_dim3A_195 : vector<16xi1>, vector<16xi32>
            %broadcast_in_dim3A_203 = vector.shape_cast %select_n3A_202 : vector<16xi32> to vector<16x1xi32>
            %gather3A_204 = vector.shape_cast %broadcast_in_dim3A_203 : vector<16x1xi32> to vector<16xi32>
            %gather3A_205 = tpu.dynamic_gather %get3A_72[%gather3A_204] in [0] : vector<16xi32>, vector<16xi32> -> vector<16xi32>
            %eq3A_206 = arith.cmpi eq, %gather3A_205, %gather3A_82 : vector<16xi32>
            %broadcast_in_dim3A_207 = arith.constant 6 : i32
            %broadcast_in_dim3A_208 = vector.broadcast %broadcast_in_dim3A_207 : i32 to vector<16xi32>
            %lt3A_209 = arith.constant 0 : i32
            %lt3A_210 = vector.broadcast %lt3A_209 : i32 to vector<16xi32>
            %lt3A_211 = arith.cmpi slt, %broadcast_in_dim3A_208, %lt3A_210 : vector<16xi32>
            %add3A_212 = arith.constant 16 : i32
            %add3A_213 = vector.broadcast %add3A_212 : i32 to vector<16xi32>
            %add3A_214 = arith.addi %broadcast_in_dim3A_208, %add3A_213 : vector<16xi32>
            %select_n3A_215 = arith.select %lt3A_211, %add3A_214, %broadcast_in_dim3A_208 : vector<16xi1>, vector<16xi32>
            %broadcast_in_dim3A_216 = vector.shape_cast %select_n3A_215 : vector<16xi32> to vector<16x1xi32>
            %gather3A_217 = vector.shape_cast %broadcast_in_dim3A_216 : vector<16x1xi32> to vector<16xi32>
            %gather3A_218 = tpu.dynamic_gather %get3A_72[%gather3A_217] in [0] : vector<16xi32>, vector<16xi32> -> vector<16xi32>
            %eq3A_219 = arith.cmpi eq, %gather3A_218, %gather3A_82 : vector<16xi32>
            %broadcast_in_dim3A_220 = arith.constant 7 : i32
            %broadcast_in_dim3A_221 = vector.broadcast %broadcast_in_dim3A_220 : i32 to vector<16xi32>
            %lt3A_222 = arith.constant 0 : i32
            %lt3A_223 = vector.broadcast %lt3A_222 : i32 to vector<16xi32>
            %lt3A_224 = arith.cmpi slt, %broadcast_in_dim3A_221, %lt3A_223 : vector<16xi32>
            %add3A_225 = arith.constant 16 : i32
            %add3A_226 = vector.broadcast %add3A_225 : i32 to vector<16xi32>
            %add3A_227 = arith.addi %broadcast_in_dim3A_221, %add3A_226 : vector<16xi32>
            %select_n3A_228 = arith.select %lt3A_224, %add3A_227, %broadcast_in_dim3A_221 : vector<16xi1>, vector<16xi32>
            %broadcast_in_dim3A_229 = vector.shape_cast %select_n3A_228 : vector<16xi32> to vector<16x1xi32>
            %gather3A_230 = vector.shape_cast %broadcast_in_dim3A_229 : vector<16x1xi32> to vector<16xi32>
            %gather3A_231 = tpu.dynamic_gather %get3A_72[%gather3A_230] in [0] : vector<16xi32>, vector<16xi32> -> vector<16xi32>
            %eq3A_232 = arith.cmpi eq, %gather3A_231, %gather3A_82 : vector<16xi32>
            %broadcast_in_dim3A_233 = arith.constant 8 : i32
            %broadcast_in_dim3A_234 = vector.broadcast %broadcast_in_dim3A_233 : i32 to vector<16xi32>
            %lt3A_235 = arith.constant 0 : i32
            %lt3A_236 = vector.broadcast %lt3A_235 : i32 to vector<16xi32>
            %lt3A_237 = arith.cmpi slt, %broadcast_in_dim3A_234, %lt3A_236 : vector<16xi32>
            %add3A_238 = arith.constant 16 : i32
            %add3A_239 = vector.broadcast %add3A_238 : i32 to vector<16xi32>
            %add3A_240 = arith.addi %broadcast_in_dim3A_234, %add3A_239 : vector<16xi32>
            %select_n3A_241 = arith.select %lt3A_237, %add3A_240, %broadcast_in_dim3A_234 : vector<16xi1>, vector<16xi32>
            %broadcast_in_dim3A_242 = vector.shape_cast %select_n3A_241 : vector<16xi32> to vector<16x1xi32>
            %gather3A_243 = vector.shape_cast %broadcast_in_dim3A_242 : vector<16x1xi32> to vector<16xi32>
            %gather3A_244 = tpu.dynamic_gather %get3A_72[%gather3A_243] in [0] : vector<16xi32>, vector<16xi32> -> vector<16xi32>
            %eq3A_245 = arith.cmpi eq, %gather3A_244, %gather3A_82 : vector<16xi32>
            %broadcast_in_dim3A_246 = arith.constant 9 : i32
            %broadcast_in_dim3A_247 = vector.broadcast %broadcast_in_dim3A_246 : i32 to vector<16xi32>
            %lt3A_248 = arith.constant 0 : i32
            %lt3A_249 = vector.broadcast %lt3A_248 : i32 to vector<16xi32>
            %lt3A_250 = arith.cmpi slt, %broadcast_in_dim3A_247, %lt3A_249 : vector<16xi32>
            %add3A_251 = arith.constant 16 : i32
            %add3A_252 = vector.broadcast %add3A_251 : i32 to vector<16xi32>
            %add3A_253 = arith.addi %broadcast_in_dim3A_247, %add3A_252 : vector<16xi32>
            %select_n3A_254 = arith.select %lt3A_250, %add3A_253, %broadcast_in_dim3A_247 : vector<16xi1>, vector<16xi32>
            %broadcast_in_dim3A_255 = vector.shape_cast %select_n3A_254 : vector<16xi32> to vector<16x1xi32>
            %gather3A_256 = vector.shape_cast %broadcast_in_dim3A_255 : vector<16x1xi32> to vector<16xi32>
            %gather3A_257 = tpu.dynamic_gather %get3A_72[%gather3A_256] in [0] : vector<16xi32>, vector<16xi32> -> vector<16xi32>
            %eq3A_258 = arith.cmpi eq, %gather3A_257, %gather3A_82 : vector<16xi32>
            %broadcast_in_dim3A_259 = arith.constant 10 : i32
            %broadcast_in_dim3A_260 = vector.broadcast %broadcast_in_dim3A_259 : i32 to vector<16xi32>
            %lt3A_261 = arith.constant 0 : i32
            %lt3A_262 = vector.broadcast %lt3A_261 : i32 to vector<16xi32>
            %lt3A_263 = arith.cmpi slt, %broadcast_in_dim3A_260, %lt3A_262 : vector<16xi32>
            %add3A_264 = arith.constant 16 : i32
            %add3A_265 = vector.broadcast %add3A_264 : i32 to vector<16xi32>
            %add3A_266 = arith.addi %broadcast_in_dim3A_260, %add3A_265 : vector<16xi32>
            %select_n3A_267 = arith.select %lt3A_263, %add3A_266, %broadcast_in_dim3A_260 : vector<16xi1>, vector<16xi32>
            %broadcast_in_dim3A_268 = vector.shape_cast %select_n3A_267 : vector<16xi32> to vector<16x1xi32>
            %gather3A_269 = vector.shape_cast %broadcast_in_dim3A_268 : vector<16x1xi32> to vector<16xi32>
            %gather3A_270 = tpu.dynamic_gather %get3A_72[%gather3A_269] in [0] : vector<16xi32>, vector<16xi32> -> vector<16xi32>
            %eq3A_271 = arith.cmpi eq, %gather3A_270, %gather3A_82 : vector<16xi32>
            %broadcast_in_dim3A_272 = arith.constant 11 : i32
            %broadcast_in_dim3A_273 = vector.broadcast %broadcast_in_dim3A_272 : i32 to vector<16xi32>
            %lt3A_274 = arith.constant 0 : i32
            %lt3A_275 = vector.broadcast %lt3A_274 : i32 to vector<16xi32>
            %lt3A_276 = arith.cmpi slt, %broadcast_in_dim3A_273, %lt3A_275 : vector<16xi32>
            %add3A_277 = arith.constant 16 : i32
            %add3A_278 = vector.broadcast %add3A_277 : i32 to vector<16xi32>
            %add3A_279 = arith.addi %broadcast_in_dim3A_273, %add3A_278 : vector<16xi32>
            %select_n3A_280 = arith.select %lt3A_276, %add3A_279, %broadcast_in_dim3A_273 : vector<16xi1>, vector<16xi32>
            %broadcast_in_dim3A_281 = vector.shape_cast %select_n3A_280 : vector<16xi32> to vector<16x1xi32>
            %gather3A_282 = vector.shape_cast %broadcast_in_dim3A_281 : vector<16x1xi32> to vector<16xi32>
            %gather3A_283 = tpu.dynamic_gather %get3A_72[%gather3A_282] in [0] : vector<16xi32>, vector<16xi32> -> vector<16xi32>
            %eq3A_284 = arith.cmpi eq, %gather3A_283, %gather3A_82 : vector<16xi32>
            %broadcast_in_dim3A_285 = arith.constant 12 : i32
            %broadcast_in_dim3A_286 = vector.broadcast %broadcast_in_dim3A_285 : i32 to vector<16xi32>
            %lt3A_287 = arith.constant 0 : i32
            %lt3A_288 = vector.broadcast %lt3A_287 : i32 to vector<16xi32>
            %lt3A_289 = arith.cmpi slt, %broadcast_in_dim3A_286, %lt3A_288 : vector<16xi32>
            %add3A_290 = arith.constant 16 : i32
            %add3A_291 = vector.broadcast %add3A_290 : i32 to vector<16xi32>
            %add3A_292 = arith.addi %broadcast_in_dim3A_286, %add3A_291 : vector<16xi32>
            %select_n3A_293 = arith.select %lt3A_289, %add3A_292, %broadcast_in_dim3A_286 : vector<16xi1>, vector<16xi32>
            %broadcast_in_dim3A_294 = vector.shape_cast %select_n3A_293 : vector<16xi32> to vector<16x1xi32>
            %gather3A_295 = vector.shape_cast %broadcast_in_dim3A_294 : vector<16x1xi32> to vector<16xi32>
            %gather3A_296 = tpu.dynamic_gather %get3A_72[%gather3A_295] in [0] : vector<16xi32>, vector<16xi32> -> vector<16xi32>
            %eq3A_297 = arith.cmpi eq, %gather3A_296, %gather3A_82 : vector<16xi32>
            %broadcast_in_dim3A_298 = arith.constant 13 : i32
            %broadcast_in_dim3A_299 = vector.broadcast %broadcast_in_dim3A_298 : i32 to vector<16xi32>
            %lt3A_300 = arith.constant 0 : i32
            %lt3A_301 = vector.broadcast %lt3A_300 : i32 to vector<16xi32>
            %lt3A_302 = arith.cmpi slt, %broadcast_in_dim3A_299, %lt3A_301 : vector<16xi32>
            %add3A_303 = arith.constant 16 : i32
            %add3A_304 = vector.broadcast %add3A_303 : i32 to vector<16xi32>
            %add3A_305 = arith.addi %broadcast_in_dim3A_299, %add3A_304 : vector<16xi32>
            %select_n3A_306 = arith.select %lt3A_302, %add3A_305, %broadcast_in_dim3A_299 : vector<16xi1>, vector<16xi32>
            %broadcast_in_dim3A_307 = vector.shape_cast %select_n3A_306 : vector<16xi32> to vector<16x1xi32>
            %gather3A_308 = vector.shape_cast %broadcast_in_dim3A_307 : vector<16x1xi32> to vector<16xi32>
            %gather3A_309 = tpu.dynamic_gather %get3A_72[%gather3A_308] in [0] : vector<16xi32>, vector<16xi32> -> vector<16xi32>
            %eq3A_310 = arith.cmpi eq, %gather3A_309, %gather3A_82 : vector<16xi32>
            %broadcast_in_dim3A_311 = arith.constant 14 : i32
            %broadcast_in_dim3A_312 = vector.broadcast %broadcast_in_dim3A_311 : i32 to vector<16xi32>
            %lt3A_313 = arith.constant 0 : i32
            %lt3A_314 = vector.broadcast %lt3A_313 : i32 to vector<16xi32>
            %lt3A_315 = arith.cmpi slt, %broadcast_in_dim3A_312, %lt3A_314 : vector<16xi32>
            %add3A_316 = arith.constant 16 : i32
            %add3A_317 = vector.broadcast %add3A_316 : i32 to vector<16xi32>
            %add3A_318 = arith.addi %broadcast_in_dim3A_312, %add3A_317 : vector<16xi32>
            %select_n3A_319 = arith.select %lt3A_315, %add3A_318, %broadcast_in_dim3A_312 : vector<16xi1>, vector<16xi32>
            %broadcast_in_dim3A_320 = vector.shape_cast %select_n3A_319 : vector<16xi32> to vector<16x1xi32>
            %gather3A_321 = vector.shape_cast %broadcast_in_dim3A_320 : vector<16x1xi32> to vector<16xi32>
            %gather3A_322 = tpu.dynamic_gather %get3A_72[%gather3A_321] in [0] : vector<16xi32>, vector<16xi32> -> vector<16xi32>
            %eq3A_323 = arith.cmpi eq, %gather3A_322, %gather3A_82 : vector<16xi32>
            %broadcast_in_dim3A_324 = arith.constant 15 : i32
            %broadcast_in_dim3A_325 = vector.broadcast %broadcast_in_dim3A_324 : i32 to vector<16xi32>
            %lt3A_326 = arith.constant 0 : i32
            %lt3A_327 = vector.broadcast %lt3A_326 : i32 to vector<16xi32>
            %lt3A_328 = arith.cmpi slt, %broadcast_in_dim3A_325, %lt3A_327 : vector<16xi32>
            %add3A_329 = arith.constant 16 : i32
            %add3A_330 = vector.broadcast %add3A_329 : i32 to vector<16xi32>
            %add3A_331 = arith.addi %broadcast_in_dim3A_325, %add3A_330 : vector<16xi32>
            %select_n3A_332 = arith.select %lt3A_328, %add3A_331, %broadcast_in_dim3A_325 : vector<16xi1>, vector<16xi32>
            %broadcast_in_dim3A_333 = vector.shape_cast %select_n3A_332 : vector<16xi32> to vector<16x1xi32>
            %gather3A_334 = vector.shape_cast %broadcast_in_dim3A_333 : vector<16x1xi32> to vector<16xi32>
            %gather3A_335 = tpu.dynamic_gather %get3A_72[%gather3A_334] in [0] : vector<16xi32>, vector<16xi32> -> vector<16xi32>
            %eq3A_336 = arith.cmpi eq, %gather3A_335, %gather3A_82 : vector<16xi32>
            %reduce_min3A = arith.constant true
            %reduce_min3A_337 = vector.broadcast %reduce_min3A : i1 to vector<16xi1>
            %reduce_min3A_338 = arith.constant -2147483648 : i32
            %reduce_min3A_339 = vector.broadcast %reduce_min3A_338 : i32 to vector<16xi32>
            %reduce_min3A_340 = arith.xori %get3A_72, %reduce_min3A_339 : vector<16xi32>
            %reduce_min3A_341 = tpu.scan <min>, %reduce_min3A_340 masked %reduce_min3A_337 : vector<16xi32>, vector<16xi1> -> vector<16xi32>
            %reduce_min3A_342 = arith.xori %reduce_min3A_341, %reduce_min3A_339 : vector<16xi32>
            %reduce_min3A_343 = vector.extract %reduce_min3A_342[15] : i32 from vector<16xi32>
            %mul3A_344 = arith.constant 512 : i32
            %mul3A_345 = arith.muli %reduce_min3A_343, %mul3A_344 : i32
            %reduce_max3A = arith.constant true
            %reduce_max3A_346 = vector.broadcast %reduce_max3A : i1 to vector<16xi1>
            %reduce_max3A_347 = arith.constant -2147483648 : i32
            %reduce_max3A_348 = vector.broadcast %reduce_max3A_347 : i32 to vector<16xi32>
            %reduce_max3A_349 = arith.xori %get3A_72, %reduce_max3A_348 : vector<16xi32>
            %reduce_max3A_350 = tpu.scan <max>, %reduce_max3A_349 masked %reduce_max3A_346 : vector<16xi32>, vector<16xi1> -> vector<16xi32>
            %reduce_max3A_351 = arith.xori %reduce_max3A_350, %reduce_max3A_348 : vector<16xi32>
            %reduce_max3A_352 = vector.extract %reduce_max3A_351[15] : i32 from vector<16xi32>
            %mul3A_353 = arith.constant 512 : i32
            %mul3A_354 = arith.muli %reduce_max3A_352, %mul3A_353 : i32
            %broadcast_in_dim3A_355 = arith.constant 0.000000e+00 : f32
            %broadcast_in_dim3A_356 = vector.broadcast %broadcast_in_dim3A_355 : f32 to vector<16xf32>
            %scan3A_357 = arith.constant 0 : i32
            %scan3A_358 = arith.constant 0 : i32
            %scan3A_359 = arith.constant 32 : i32
            %scan3A_360 = arith.addi %scan3A_358, %scan3A_359 : i32
            %scan3A_361 = arith.constant 2 : i32
            %scan3A_362 = scf.for %scan3A_364 = %scan3A_358 to %scan3A_360 step %scan3A_361 iter_args(%scan3A_365 = %scan3A_357) -> (i32)  : i32 {
              %mul3A_366 = arith.constant 16 : i32
              %mul3A_367 = arith.muli %scan3A_364, %mul3A_366 : i32
              %mul3A_368 = arith.constant 16 : i32
              %mul3A_369 = arith.muli %scan3A_68, %mul3A_368 : i32
              %add3A_370 = arith.constant 0 : i32
              %add3A_371 = arith.addi %mul3A_369, %add3A_370 : i32
              %get3A_372 = arith.index_cast %add3A_371 : i32 to index
              %get3A_373 = arith.index_cast %mul3A_367 : i32 to index
              %get3A_374 = tpu.vector_load %arg9[%get3A_372, %get3A_373] {strides = array<i32>} : memref<64x512xf32, #tpu.memory_space<vmem>>, vector<16xf32>,
              %mul3A_375 = arith.constant 16 : i32
              %mul3A_376 = arith.muli %scan3A_68, %mul3A_375 : i32
              %add3A_377 = arith.constant 1 : i32
              %add3A_378 = arith.addi %mul3A_376, %add3A_377 : i32
              %get3A_379 = arith.index_cast %add3A_378 : i32 to index
              %get3A_380 = arith.index_cast %mul3A_367 : i32 to index
              %get3A_381 = tpu.vector_load %arg9[%get3A_379, %get3A_380] {strides = array<i32>} : memref<64x512xf32, #tpu.memory_space<vmem>>, vector<16xf32>,
              %mul3A_382 = arith.constant 16 : i32
              %mul3A_383 = arith.muli %scan3A_68, %mul3A_382 : i32
              %add3A_384 = arith.constant 2 : i32
              %add3A_385 = arith.addi %mul3A_383, %add3A_384 : i32
              %get3A_386 = arith.index_cast %add3A_385 : i32 to index
              %get3A_387 = arith.index_cast %mul3A_367 : i32 to index
              %get3A_388 = tpu.vector_load %arg9[%get3A_386, %get3A_387] {strides = array<i32>} : memref<64x512xf32, #tpu.memory_space<vmem>>, vector<16xf32>,
              %mul3A_389 = arith.constant 16 : i32
              %mul3A_390 = arith.muli %scan3A_68, %mul3A_389 : i32
              %add3A_391 = arith.constant 3 : i32
              %add3A_392 = arith.addi %mul3A_390, %add3A_391 : i32
              %get3A_393 = arith.index_cast %add3A_392 : i32 to index
              %get3A_394 = arith.index_cast %mul3A_367 : i32 to index
              %get3A_395 = tpu.vector_load %arg9[%get3A_393, %get3A_394] {strides = array<i32>} : memref<64x512xf32, #tpu.memory_space<vmem>>, vector<16xf32>,
              %mul3A_396 = arith.constant 16 : i32
              %mul3A_397 = arith.muli %scan3A_68, %mul3A_396 : i32
              %add3A_398 = arith.constant 4 : i32
              %add3A_399 = arith.addi %mul3A_397, %add3A_398 : i32
              %get3A_400 = arith.index_cast %add3A_399 : i32 to index
              %get3A_401 = arith.index_cast %mul3A_367 : i32 to index
              %get3A_402 = tpu.vector_load %arg9[%get3A_400, %get3A_401] {strides = array<i32>} : memref<64x512xf32, #tpu.memory_space<vmem>>, vector<16xf32>,
              %mul3A_403 = arith.constant 16 : i32
              %mul3A_404 = arith.muli %scan3A_68, %mul3A_403 : i32
              %add3A_405 = arith.constant 5 : i32
              %add3A_406 = arith.addi %mul3A_404, %add3A_405 : i32
              %get3A_407 = arith.index_cast %add3A_406 : i32 to index
              %get3A_408 = arith.index_cast %mul3A_367 : i32 to index
              %get3A_409 = tpu.vector_load %arg9[%get3A_407, %get3A_408] {strides = array<i32>} : memref<64x512xf32, #tpu.memory_space<vmem>>, vector<16xf32>,
              %mul3A_410 = arith.constant 16 : i32
              %mul3A_411 = arith.muli %scan3A_68, %mul3A_410 : i32
              %add3A_412 = arith.constant 6 : i32
              %add3A_413 = arith.addi %mul3A_411, %add3A_412 : i32
              %get3A_414 = arith.index_cast %add3A_413 : i32 to index
              %get3A_415 = arith.index_cast %mul3A_367 : i32 to index
              %get3A_416 = tpu.vector_load %arg9[%get3A_414, %get3A_415] {strides = array<i32>} : memref<64x512xf32, #tpu.memory_space<vmem>>, vector<16xf32>,
              %mul3A_417 = arith.constant 16 : i32
              %mul3A_418 = arith.muli %scan3A_68, %mul3A_417 : i32
              %add3A_419 = arith.constant 7 : i32
              %add3A_420 = arith.addi %mul3A_418, %add3A_419 : i32
              %get3A_421 = arith.index_cast %add3A_420 : i32 to index
              %get3A_422 = arith.index_cast %mul3A_367 : i32 to index
              %get3A_423 = tpu.vector_load %arg9[%get3A_421, %get3A_422] {strides = array<i32>} : memref<64x512xf32, #tpu.memory_space<vmem>>, vector<16xf32>,
              %mul3A_424 = arith.constant 16 : i32
              %mul3A_425 = arith.muli %scan3A_68, %mul3A_424 : i32
              %add3A_426 = arith.constant 8 : i32
              %add3A_427 = arith.addi %mul3A_425, %add3A_426 : i32
              %get3A_428 = arith.index_cast %add3A_427 : i32 to index
              %get3A_429 = arith.index_cast %mul3A_367 : i32 to index
              %get3A_430 = tpu.vector_load %arg9[%get3A_428, %get3A_429] {strides = array<i32>} : memref<64x512xf32, #tpu.memory_space<vmem>>, vector<16xf32>,
              %mul3A_431 = arith.constant 16 : i32
              %mul3A_432 = arith.muli %scan3A_68, %mul3A_431 : i32
              %add3A_433 = arith.constant 9 : i32
              %add3A_434 = arith.addi %mul3A_432, %add3A_433 : i32
              %get3A_435 = arith.index_cast %add3A_434 : i32 to index
              %get3A_436 = arith.index_cast %mul3A_367 : i32 to index
              %get3A_437 = tpu.vector_load %arg9[%get3A_435, %get3A_436] {strides = array<i32>} : memref<64x512xf32, #tpu.memory_space<vmem>>, vector<16xf32>,
              %mul3A_438 = arith.constant 16 : i32
              %mul3A_439 = arith.muli %scan3A_68, %mul3A_438 : i32
              %add3A_440 = arith.constant 10 : i32
              %add3A_441 = arith.addi %mul3A_439, %add3A_440 : i32
              %get3A_442 = arith.index_cast %add3A_441 : i32 to index
              %get3A_443 = arith.index_cast %mul3A_367 : i32 to index
              %get3A_444 = tpu.vector_load %arg9[%get3A_442, %get3A_443] {strides = array<i32>} : memref<64x512xf32, #tpu.memory_space<vmem>>, vector<16xf32>,
              %mul3A_445 = arith.constant 16 : i32
              %mul3A_446 = arith.muli %scan3A_68, %mul3A_445 : i32
              %add3A_447 = arith.constant 11 : i32
              %add3A_448 = arith.addi %mul3A_446, %add3A_447 : i32
              %get3A_449 = arith.index_cast %add3A_448 : i32 to index
              %get3A_450 = arith.index_cast %mul3A_367 : i32 to index
              %get3A_451 = tpu.vector_load %arg9[%get3A_449, %get3A_450] {strides = array<i32>} : memref<64x512xf32, #tpu.memory_space<vmem>>, vector<16xf32>,
              %mul3A_452 = arith.constant 16 : i32
              %mul3A_453 = arith.muli %scan3A_68, %mul3A_452 : i32
              %add3A_454 = arith.constant 12 : i32
              %add3A_455 = arith.addi %mul3A_453, %add3A_454 : i32
              %get3A_456 = arith.index_cast %add3A_455 : i32 to index
              %get3A_457 = arith.index_cast %mul3A_367 : i32 to index
              %get3A_458 = tpu.vector_load %arg9[%get3A_456, %get3A_457] {strides = array<i32>} : memref<64x512xf32, #tpu.memory_space<vmem>>, vector<16xf32>,
              %mul3A_459 = arith.constant 16 : i32
              %mul3A_460 = arith.muli %scan3A_68, %mul3A_459 : i32
              %add3A_461 = arith.constant 13 : i32
              %add3A_462 = arith.addi %mul3A_460, %add3A_461 : i32
              %get3A_463 = arith.index_cast %add3A_462 : i32 to index
              %get3A_464 = arith.index_cast %mul3A_367 : i32 to index
              %get3A_465 = tpu.vector_load %arg9[%get3A_463, %get3A_464] {strides = array<i32>} : memref<64x512xf32, #tpu.memory_space<vmem>>, vector<16xf32>,
              %mul3A_466 = arith.constant 16 : i32
              %mul3A_467 = arith.muli %scan3A_68, %mul3A_466 : i32
              %add3A_468 = arith.constant 14 : i32
              %add3A_469 = arith.addi %mul3A_467, %add3A_468 : i32
              %get3A_470 = arith.index_cast %add3A_469 : i32 to index
              %get3A_471 = arith.index_cast %mul3A_367 : i32 to index
              %get3A_472 = tpu.vector_load %arg9[%get3A_470, %get3A_471] {strides = array<i32>} : memref<64x512xf32, #tpu.memory_space<vmem>>, vector<16xf32>,
              %mul3A_473 = arith.constant 16 : i32
              %mul3A_474 = arith.muli %scan3A_68, %mul3A_473 : i32
              %add3A_475 = arith.constant 15 : i32
              %add3A_476 = arith.addi %mul3A_474, %add3A_475 : i32
              %get3A_477 = arith.index_cast %add3A_476 : i32 to index
              %get3A_478 = arith.index_cast %mul3A_367 : i32 to index
              %get3A_479 = tpu.vector_load %arg9[%get3A_477, %get3A_478] {strides = array<i32>} : memref<64x512xf32, #tpu.memory_space<vmem>>, vector<16xf32>,
              %add3A_480 = arith.addf %get3A_374, %get3A_381 : vector<16xf32>
              %add3A_481 = arith.addf %get3A_388, %get3A_395 : vector<16xf32>
              %add3A_482 = arith.addf %get3A_402, %get3A_409 : vector<16xf32>
              %add3A_483 = arith.addf %get3A_416, %get3A_423 : vector<16xf32>
              %add3A_484 = arith.addf %get3A_430, %get3A_437 : vector<16xf32>
              %add3A_485 = arith.addf %get3A_444, %get3A_451 : vector<16xf32>
              %add3A_486 = arith.addf %get3A_458, %get3A_465 : vector<16xf32>
              %add3A_487 = arith.addf %get3A_472, %get3A_479 : vector<16xf32>
              %add3A_488 = arith.addf %add3A_480, %add3A_481 : vector<16xf32>
              %add3A_489 = arith.addf %add3A_482, %add3A_483 : vector<16xf32>
              %add3A_490 = arith.addf %add3A_484, %add3A_485 : vector<16xf32>
              %add3A_491 = arith.addf %add3A_486, %add3A_487 : vector<16xf32>
              %add3A_492 = arith.addf %add3A_488, %add3A_489 : vector<16xf32>
              %add3A_493 = arith.addf %add3A_490, %add3A_491 : vector<16xf32>
              %add3A_494 = arith.addf %add3A_492, %add3A_493 : vector<16xf32>
              %select_n3A_495 = arith.select %eq3A_141, %get3A_374, %broadcast_in_dim3A_356 : vector<16xi1>, vector<16xf32>
              %select_n3A_496 = arith.select %eq3A_154, %get3A_381, %broadcast_in_dim3A_356 : vector<16xi1>, vector<16xf32>
              %select_n3A_497 = arith.select %eq3A_167, %get3A_388, %broadcast_in_dim3A_356 : vector<16xi1>, vector<16xf32>
              %select_n3A_498 = arith.select %eq3A_180, %get3A_395, %broadcast_in_dim3A_356 : vector<16xi1>, vector<16xf32>
              %select_n3A_499 = arith.select %eq3A_193, %get3A_402, %broadcast_in_dim3A_356 : vector<16xi1>, vector<16xf32>
              %select_n3A_500 = arith.select %eq3A_206, %get3A_409, %broadcast_in_dim3A_356 : vector<16xi1>, vector<16xf32>
              %select_n3A_501 = arith.select %eq3A_219, %get3A_416, %broadcast_in_dim3A_356 : vector<16xi1>, vector<16xf32>
              %select_n3A_502 = arith.select %eq3A_232, %get3A_423, %broadcast_in_dim3A_356 : vector<16xi1>, vector<16xf32>
              %select_n3A_503 = arith.select %eq3A_245, %get3A_430, %broadcast_in_dim3A_356 : vector<16xi1>, vector<16xf32>
              %select_n3A_504 = arith.select %eq3A_258, %get3A_437, %broadcast_in_dim3A_356 : vector<16xi1>, vector<16xf32>
              %select_n3A_505 = arith.select %eq3A_271, %get3A_444, %broadcast_in_dim3A_356 : vector<16xi1>, vector<16xf32>
              %select_n3A_506 = arith.select %eq3A_284, %get3A_451, %broadcast_in_dim3A_356 : vector<16xi1>, vector<16xf32>
              %select_n3A_507 = arith.select %eq3A_297, %get3A_458, %broadcast_in_dim3A_356 : vector<16xi1>, vector<16xf32>
              %select_n3A_508 = arith.select %eq3A_310, %get3A_465, %broadcast_in_dim3A_356 : vector<16xi1>, vector<16xf32>
              %select_n3A_509 = arith.select %eq3A_323, %get3A_472, %broadcast_in_dim3A_356 : vector<16xi1>, vector<16xf32>
              %select_n3A_510 = arith.select %eq3A_336, %get3A_479, %broadcast_in_dim3A_356 : vector<16xi1>, vector<16xf32>
              %add3A_511 = arith.addf %select_n3A_495, %select_n3A_496 : vector<16xf32>
              %add3A_512 = arith.addf %select_n3A_497, %select_n3A_498 : vector<16xf32>
              %add3A_513 = arith.addf %select_n3A_499, %select_n3A_500 : vector<16xf32>
              %add3A_514 = arith.addf %select_n3A_501, %select_n3A_502 : vector<16xf32>
              %add3A_515 = arith.addf %select_n3A_503, %select_n3A_504 : vector<16xf32>
              %add3A_516 = arith.addf %select_n3A_505, %select_n3A_506 : vector<16xf32>
              %add3A_517 = arith.addf %select_n3A_507, %select_n3A_508 : vector<16xf32>
              %add3A_518 = arith.addf %select_n3A_509, %select_n3A_510 : vector<16xf32>
              %add3A_519 = arith.addf %add3A_511, %add3A_512 : vector<16xf32>
              %add3A_520 = arith.addf %add3A_513, %add3A_514 : vector<16xf32>
              %add3A_521 = arith.addf %add3A_515, %add3A_516 : vector<16xf32>
              %add3A_522 = arith.addf %add3A_517, %add3A_518 : vector<16xf32>
              %add3A_523 = arith.addf %add3A_519, %add3A_520 : vector<16xf32>
              %add3A_524 = arith.addf %add3A_521, %add3A_522 : vector<16xf32>
              %add3A_525 = arith.addf %add3A_523, %add3A_524 : vector<16xf32>
              %mul3A_526 = arith.constant 16 : i32
              %mul3A_527 = arith.muli %scan3A_364, %mul3A_526 : i32
              %add3A_528 = arith.addi %mul3A_345, %mul3A_527 : i32
              %get3A_529 = arith.index_cast %add3A_528 : i32 to index
              %get3A_530 = tpu.vector_load %arg12[%get3A_529] {strides = array<i32>} : memref<32768xf32, #tpu.memory_space<vmem>>, vector<16xf32>,
              %add3A_531 = arith.addf %get3A_530, %add3A_525 : vector<16xf32>
              %swap3A = arith.index_cast %add3A_528 : i32 to index
              %swap3A_532 = tpu.vector_load %arg12[%swap3A] {strides = array<i32>} : memref<32768xf32, #tpu.memory_space<vmem>>, vector<16xf32>,
              tpu.vector_store %arg12[%swap3A], %add3A_531 {strides = array<i32>} : memref<32768xf32, #tpu.memory_space<vmem>>, vector<16xf32>,
              %mul3A_533 = arith.constant 16 : i32
              %mul3A_534 = arith.muli %scan3A_364, %mul3A_533 : i32
              %add3A_535 = arith.addi %mul3A_354, %mul3A_534 : i32
              %get3A_536 = arith.index_cast %add3A_535 : i32 to index
              %get3A_537 = tpu.vector_load %arg12[%get3A_536] {strides = array<i32>} : memref<32768xf32, #tpu.memory_space<vmem>>, vector<16xf32>,
              %sub3A = arith.subf %add3A_494, %add3A_525 : vector<16xf32>
              %add3A_538 = arith.addf %get3A_537, %sub3A : vector<16xf32>
              %swap3A_539 = arith.index_cast %add3A_535 : i32 to index
              %swap3A_540 = tpu.vector_load %arg12[%swap3A_539] {strides = array<i32>} : memref<32768xf32, #tpu.memory_space<vmem>>, vector<16xf32>,
              tpu.vector_store %arg12[%swap3A_539], %add3A_538 {strides = array<i32>} : memref<32768xf32, #tpu.memory_space<vmem>>, vector<16xf32>,
              %scan3A_541 = arith.constant 0 : i32
              %scan3A_542 = arith.constant 1 : i32
              %scan3A_543 = arith.addi %scan3A_364, %scan3A_542 : i32
              %mul3A_544 = arith.constant 16 : i32
              %mul3A_545 = arith.muli %scan3A_543, %mul3A_544 : i32
              %mul3A_546 = arith.constant 16 : i32
              %mul3A_547 = arith.muli %scan3A_68, %mul3A_546 : i32
              %add3A_548 = arith.constant 0 : i32
              %add3A_549 = arith.addi %mul3A_547, %add3A_548 : i32
              %get3A_550 = arith.index_cast %add3A_549 : i32 to index
              %get3A_551 = arith.index_cast %mul3A_545 : i32 to index
              %get3A_552 = tpu.vector_load %arg9[%get3A_550, %get3A_551] {strides = array<i32>} : memref<64x512xf32, #tpu.memory_space<vmem>>, vector<16xf32>,
              %mul3A_553 = arith.constant 16 : i32
              %mul3A_554 = arith.muli %scan3A_68, %mul3A_553 : i32
              %add3A_555 = arith.constant 1 : i32
              %add3A_556 = arith.addi %mul3A_554, %add3A_555 : i32
              %get3A_557 = arith.index_cast %add3A_556 : i32 to index
              %get3A_558 = arith.index_cast %mul3A_545 : i32 to index
              %get3A_559 = tpu.vector_load %arg9[%get3A_557, %get3A_558] {strides = array<i32>} : memref<64x512xf32, #tpu.memory_space<vmem>>, vector<16xf32>,
              %mul3A_560 = arith.constant 16 : i32
              %mul3A_561 = arith.muli %scan3A_68, %mul3A_560 : i32
              %add3A_562 = arith.constant 2 : i32
              %add3A_563 = arith.addi %mul3A_561, %add3A_562 : i32
              %get3A_564 = arith.index_cast %add3A_563 : i32 to index
              %get3A_565 = arith.index_cast %mul3A_545 : i32 to index
              %get3A_566 = tpu.vector_load %arg9[%get3A_564, %get3A_565] {strides = array<i32>} : memref<64x512xf32, #tpu.memory_space<vmem>>, vector<16xf32>,
              %mul3A_567 = arith.constant 16 : i32
              %mul3A_568 = arith.muli %scan3A_68, %mul3A_567 : i32
              %add3A_569 = arith.constant 3 : i32
              %add3A_570 = arith.addi %mul3A_568, %add3A_569 : i32
              %get3A_571 = arith.index_cast %add3A_570 : i32 to index
              %get3A_572 = arith.index_cast %mul3A_545 : i32 to index
              %get3A_573 = tpu.vector_load %arg9[%get3A_571, %get3A_572] {strides = array<i32>} : memref<64x512xf32, #tpu.memory_space<vmem>>, vector<16xf32>,
              %mul3A_574 = arith.constant 16 : i32
              %mul3A_575 = arith.muli %scan3A_68, %mul3A_574 : i32
              %add3A_576 = arith.constant 4 : i32
              %add3A_577 = arith.addi %mul3A_575, %add3A_576 : i32
              %get3A_578 = arith.index_cast %add3A_577 : i32 to index
              %get3A_579 = arith.index_cast %mul3A_545 : i32 to index
              %get3A_580 = tpu.vector_load %arg9[%get3A_578, %get3A_579] {strides = array<i32>} : memref<64x512xf32, #tpu.memory_space<vmem>>, vector<16xf32>,
              %mul3A_581 = arith.constant 16 : i32
              %mul3A_582 = arith.muli %scan3A_68, %mul3A_581 : i32
              %add3A_583 = arith.constant 5 : i32
              %add3A_584 = arith.addi %mul3A_582, %add3A_583 : i32
              %get3A_585 = arith.index_cast %add3A_584 : i32 to index
              %get3A_586 = arith.index_cast %mul3A_545 : i32 to index
              %get3A_587 = tpu.vector_load %arg9[%get3A_585, %get3A_586] {strides = array<i32>} : memref<64x512xf32, #tpu.memory_space<vmem>>, vector<16xf32>,
              %mul3A_588 = arith.constant 16 : i32
              %mul3A_589 = arith.muli %scan3A_68, %mul3A_588 : i32
              %add3A_590 = arith.constant 6 : i32
              %add3A_591 = arith.addi %mul3A_589, %add3A_590 : i32
              %get3A_592 = arith.index_cast %add3A_591 : i32 to index
              %get3A_593 = arith.index_cast %mul3A_545 : i32 to index
              %get3A_594 = tpu.vector_load %arg9[%get3A_592, %get3A_593] {strides = array<i32>} : memref<64x512xf32, #tpu.memory_space<vmem>>, vector<16xf32>,
              %mul3A_595 = arith.constant 16 : i32
              %mul3A_596 = arith.muli %scan3A_68, %mul3A_595 : i32
              %add3A_597 = arith.constant 7 : i32
              %add3A_598 = arith.addi %mul3A_596, %add3A_597 : i32
              %get3A_599 = arith.index_cast %add3A_598 : i32 to index
              %get3A_600 = arith.index_cast %mul3A_545 : i32 to index
              %get3A_601 = tpu.vector_load %arg9[%get3A_599, %get3A_600] {strides = array<i32>} : memref<64x512xf32, #tpu.memory_space<vmem>>, vector<16xf32>,
              %mul3A_602 = arith.constant 16 : i32
              %mul3A_603 = arith.muli %scan3A_68, %mul3A_602 : i32
              %add3A_604 = arith.constant 8 : i32
              %add3A_605 = arith.addi %mul3A_603, %add3A_604 : i32
              %get3A_606 = arith.index_cast %add3A_605 : i32 to index
              %get3A_607 = arith.index_cast %mul3A_545 : i32 to index
              %get3A_608 = tpu.vector_load %arg9[%get3A_606, %get3A_607] {strides = array<i32>} : memref<64x512xf32, #tpu.memory_space<vmem>>, vector<16xf32>,
              %mul3A_609 = arith.constant 16 : i32
              %mul3A_610 = arith.muli %scan3A_68, %mul3A_609 : i32
              %add3A_611 = arith.constant 9 : i32
              %add3A_612 = arith.addi %mul3A_610, %add3A_611 : i32
              %get3A_613 = arith.index_cast %add3A_612 : i32 to index
              %get3A_614 = arith.index_cast %mul3A_545 : i32 to index
              %get3A_615 = tpu.vector_load %arg9[%get3A_613, %get3A_614] {strides = array<i32>} : memref<64x512xf32, #tpu.memory_space<vmem>>, vector<16xf32>,
              %mul3A_616 = arith.constant 16 : i32
              %mul3A_617 = arith.muli %scan3A_68, %mul3A_616 : i32
              %add3A_618 = arith.constant 10 : i32
              %add3A_619 = arith.addi %mul3A_617, %add3A_618 : i32
              %get3A_620 = arith.index_cast %add3A_619 : i32 to index
              %get3A_621 = arith.index_cast %mul3A_545 : i32 to index
              %get3A_622 = tpu.vector_load %arg9[%get3A_620, %get3A_621] {strides = array<i32>} : memref<64x512xf32, #tpu.memory_space<vmem>>, vector<16xf32>,
              %mul3A_623 = arith.constant 16 : i32
              %mul3A_624 = arith.muli %scan3A_68, %mul3A_623 : i32
              %add3A_625 = arith.constant 11 : i32
              %add3A_626 = arith.addi %mul3A_624, %add3A_625 : i32
              %get3A_627 = arith.index_cast %add3A_626 : i32 to index
              %get3A_628 = arith.index_cast %mul3A_545 : i32 to index
              %get3A_629 = tpu.vector_load %arg9[%get3A_627, %get3A_628] {strides = array<i32>} : memref<64x512xf32, #tpu.memory_space<vmem>>, vector<16xf32>,
              %mul3A_630 = arith.constant 16 : i32
              %mul3A_631 = arith.muli %scan3A_68, %mul3A_630 : i32
              %add3A_632 = arith.constant 12 : i32
              %add3A_633 = arith.addi %mul3A_631, %add3A_632 : i32
              %get3A_634 = arith.index_cast %add3A_633 : i32 to index
              %get3A_635 = arith.index_cast %mul3A_545 : i32 to index
              %get3A_636 = tpu.vector_load %arg9[%get3A_634, %get3A_635] {strides = array<i32>} : memref<64x512xf32, #tpu.memory_space<vmem>>, vector<16xf32>,
              %mul3A_637 = arith.constant 16 : i32
              %mul3A_638 = arith.muli %scan3A_68, %mul3A_637 : i32
              %add3A_639 = arith.constant 13 : i32
              %add3A_640 = arith.addi %mul3A_638, %add3A_639 : i32
              %get3A_641 = arith.index_cast %add3A_640 : i32 to index
              %get3A_642 = arith.index_cast %mul3A_545 : i32 to index
              %get3A_643 = tpu.vector_load %arg9[%get3A_641, %get3A_642] {strides = array<i32>} : memref<64x512xf32, #tpu.memory_space<vmem>>, vector<16xf32>,
              %mul3A_644 = arith.constant 16 : i32
              %mul3A_645 = arith.muli %scan3A_68, %mul3A_644 : i32
              %add3A_646 = arith.constant 14 : i32
              %add3A_647 = arith.addi %mul3A_645, %add3A_646 : i32
              %get3A_648 = arith.index_cast %add3A_647 : i32 to index
              %get3A_649 = arith.index_cast %mul3A_545 : i32 to index
              %get3A_650 = tpu.vector_load %arg9[%get3A_648, %get3A_649] {strides = array<i32>} : memref<64x512xf32, #tpu.memory_space<vmem>>, vector<16xf32>,
              %mul3A_651 = arith.constant 16 : i32
              %mul3A_652 = arith.muli %scan3A_68, %mul3A_651 : i32
              %add3A_653 = arith.constant 15 : i32
              %add3A_654 = arith.addi %mul3A_652, %add3A_653 : i32
              %get3A_655 = arith.index_cast %add3A_654 : i32 to index
              %get3A_656 = arith.index_cast %mul3A_545 : i32 to index
              %get3A_657 = tpu.vector_load %arg9[%get3A_655, %get3A_656] {strides = array<i32>} : memref<64x512xf32, #tpu.memory_space<vmem>>, vector<16xf32>,
              %add3A_658 = arith.addf %get3A_552, %get3A_559 : vector<16xf32>
              %add3A_659 = arith.addf %get3A_566, %get3A_573 : vector<16xf32>
              %add3A_660 = arith.addf %get3A_580, %get3A_587 : vector<16xf32>
              %add3A_661 = arith.addf %get3A_594, %get3A_601 : vector<16xf32>
              %add3A_662 = arith.addf %get3A_608, %get3A_615 : vector<16xf32>
              %add3A_663 = arith.addf %get3A_622, %get3A_629 : vector<16xf32>
              %add3A_664 = arith.addf %get3A_636, %get3A_643 : vector<16xf32>
              %add3A_665 = arith.addf %get3A_650, %get3A_657 : vector<16xf32>
              %add3A_666 = arith.addf %add3A_658, %add3A_659 : vector<16xf32>
              %add3A_667 = arith.addf %add3A_660, %add3A_661 : vector<16xf32>
              %add3A_668 = arith.addf %add3A_662, %add3A_663 : vector<16xf32>
              %add3A_669 = arith.addf %add3A_664, %add3A_665 : vector<16xf32>
              %add3A_670 = arith.addf %add3A_666, %add3A_667 : vector<16xf32>
              %add3A_671 = arith.addf %add3A_668, %add3A_669 : vector<16xf32>
              %add3A_672 = arith.addf %add3A_670, %add3A_671 : vector<16xf32>
              %select_n3A_673 = arith.select %eq3A_141, %get3A_552, %broadcast_in_dim3A_356 : vector<16xi1>, vector<16xf32>
              %select_n3A_674 = arith.select %eq3A_154, %get3A_559, %broadcast_in_dim3A_356 : vector<16xi1>, vector<16xf32>
              %select_n3A_675 = arith.select %eq3A_167, %get3A_566, %broadcast_in_dim3A_356 : vector<16xi1>, vector<16xf32>
              %select_n3A_676 = arith.select %eq3A_180, %get3A_573, %broadcast_in_dim3A_356 : vector<16xi1>, vector<16xf32>
              %select_n3A_677 = arith.select %eq3A_193, %get3A_580, %broadcast_in_dim3A_356 : vector<16xi1>, vector<16xf32>
              %select_n3A_678 = arith.select %eq3A_206, %get3A_587, %broadcast_in_dim3A_356 : vector<16xi1>, vector<16xf32>
              %select_n3A_679 = arith.select %eq3A_219, %get3A_594, %broadcast_in_dim3A_356 : vector<16xi1>, vector<16xf32>
              %select_n3A_680 = arith.select %eq3A_232, %get3A_601, %broadcast_in_dim3A_356 : vector<16xi1>, vector<16xf32>
              %select_n3A_681 = arith.select %eq3A_245, %get3A_608, %broadcast_in_dim3A_356 : vector<16xi1>, vector<16xf32>
              %select_n3A_682 = arith.select %eq3A_258, %get3A_615, %broadcast_in_dim3A_356 : vector<16xi1>, vector<16xf32>
              %select_n3A_683 = arith.select %eq3A_271, %get3A_622, %broadcast_in_dim3A_356 : vector<16xi1>, vector<16xf32>
              %select_n3A_684 = arith.select %eq3A_284, %get3A_629, %broadcast_in_dim3A_356 : vector<16xi1>, vector<16xf32>
              %select_n3A_685 = arith.select %eq3A_297, %get3A_636, %broadcast_in_dim3A_356 : vector<16xi1>, vector<16xf32>
              %select_n3A_686 = arith.select %eq3A_310, %get3A_643, %broadcast_in_dim3A_356 : vector<16xi1>, vector<16xf32>
              %select_n3A_687 = arith.select %eq3A_323, %get3A_650, %broadcast_in_dim3A_356 : vector<16xi1>, vector<16xf32>
              %select_n3A_688 = arith.select %eq3A_336, %get3A_657, %broadcast_in_dim3A_356 : vector<16xi1>, vector<16xf32>
              %add3A_689 = arith.addf %select_n3A_673, %select_n3A_674 : vector<16xf32>
              %add3A_690 = arith.addf %select_n3A_675, %select_n3A_676 : vector<16xf32>
              %add3A_691 = arith.addf %select_n3A_677, %select_n3A_678 : vector<16xf32>
              %add3A_692 = arith.addf %select_n3A_679, %select_n3A_680 : vector<16xf32>
              %add3A_693 = arith.addf %select_n3A_681, %select_n3A_682 : vector<16xf32>
              %add3A_694 = arith.addf %select_n3A_683, %select_n3A_684 : vector<16xf32>
              %add3A_695 = arith.addf %select_n3A_685, %select_n3A_686 : vector<16xf32>
              %add3A_696 = arith.addf %select_n3A_687, %select_n3A_688 : vector<16xf32>
              %add3A_697 = arith.addf %add3A_689, %add3A_690 : vector<16xf32>
              %add3A_698 = arith.addf %add3A_691, %add3A_692 : vector<16xf32>
              %add3A_699 = arith.addf %add3A_693, %add3A_694 : vector<16xf32>
              %add3A_700 = arith.addf %add3A_695, %add3A_696 : vector<16xf32>
              %add3A_701 = arith.addf %add3A_697, %add3A_698 : vector<16xf32>
              %add3A_702 = arith.addf %add3A_699, %add3A_700 : vector<16xf32>
              %add3A_703 = arith.addf %add3A_701, %add3A_702 : vector<16xf32>
              %mul3A_704 = arith.constant 16 : i32
              %mul3A_705 = arith.muli %scan3A_543, %mul3A_704 : i32
              %add3A_706 = arith.addi %mul3A_345, %mul3A_705 : i32
              %get3A_707 = arith.index_cast %add3A_706 : i32 to index
              %get3A_708 = tpu.vector_load %arg12[%get3A_707] {strides = array<i32>} : memref<32768xf32, #tpu.memory_space<vmem>>, vector<16xf32>,
              %add3A_709 = arith.addf %get3A_708, %add3A_703 : vector<16xf32>
              %swap3A_710 = arith.index_cast %add3A_706 : i32 to index
              %swap3A_711 = tpu.vector_load %arg12[%swap3A_710] {strides = array<i32>} : memref<32768xf32, #tpu.memory_space<vmem>>, vector<16xf32>,
              tpu.vector_store %arg12[%swap3A_710], %add3A_709 {strides = array<i32>} : memref<32768xf32, #tpu.memory_space<vmem>>, vector<16xf32>,
              %mul3A_712 = arith.constant 16 : i32
              %mul3A_713 = arith.muli %scan3A_543, %mul3A_712 : i32
              %add3A_714 = arith.addi %mul3A_354, %mul3A_713 : i32
              %get3A_715 = arith.index_cast %add3A_714 : i32 to index
              %get3A_716 = tpu.vector_load %arg12[%get3A_715] {strides = array<i32>} : memref<32768xf32, #tpu.memory_space<vmem>>, vector<16xf32>,
              %sub3A_717 = arith.subf %add3A_672, %add3A_703 : vector<16xf32>
              %add3A_718 = arith.addf %get3A_716, %sub3A_717 : vector<16xf32>
              %swap3A_719 = arith.index_cast %add3A_714 : i32 to index
              %swap3A_720 = tpu.vector_load %arg12[%swap3A_719] {strides = array<i32>} : memref<32768xf32, #tpu.memory_space<vmem>>, vector<16xf32>,
              tpu.vector_store %arg12[%swap3A_719], %add3A_718 {strides = array<i32>} : memref<32768xf32, #tpu.memory_space<vmem>>, vector<16xf32>,
              %scan3A_721 = arith.constant 0 : i32
              scf.yield %scan3A_721 : i32
            }
            %scan3A_363 = arith.constant 32 : i32
          } else {
            %scan3A_129 = arith.constant 0 : i32
            %scan3A_130 = arith.constant 0 : i32
            %scan3A_131 = arith.constant 16 : i32
            %scan3A_132 = arith.addi %scan3A_130, %scan3A_131 : i32
            %scan3A_133 = arith.constant 1 : i32
            %scan3A_134 = scf.for %scan3A_136 = %scan3A_130 to %scan3A_132 step %scan3A_133 iter_args(%scan3A_137 = %scan3A_129) -> (i32)  : i32 {
              %broadcast_in_dim3A_138 = vector.broadcast %scan3A_136 : i32 to vector<16xi32>
              %lt3A_139 = arith.constant 0 : i32
              %lt3A_140 = vector.broadcast %lt3A_139 : i32 to vector<16xi32>
              %lt3A_141 = arith.cmpi slt, %broadcast_in_dim3A_138, %lt3A_140 : vector<16xi32>
              %add3A_142 = arith.constant 16 : i32
              %add3A_143 = vector.broadcast %add3A_142 : i32 to vector<16xi32>
              %add3A_144 = arith.addi %broadcast_in_dim3A_138, %add3A_143 : vector<16xi32>
              %select_n3A_145 = arith.select %lt3A_141, %add3A_144, %broadcast_in_dim3A_138 : vector<16xi1>, vector<16xi32>
              %broadcast_in_dim3A_146 = vector.shape_cast %select_n3A_145 : vector<16xi32> to vector<16x1xi32>
              %gather3A_147 = vector.shape_cast %broadcast_in_dim3A_146 : vector<16x1xi32> to vector<16xi32>
              %gather3A_148 = tpu.dynamic_gather %get3A_72[%gather3A_147] in [0] : vector<16xi32>, vector<16xi32> -> vector<16xi32>
              %mul3A_149 = arith.constant 512 : i32
              %mul3A_150 = vector.broadcast %mul3A_149 : i32 to vector<16xi32>
              %mul3A_151 = arith.muli %gather3A_148, %mul3A_150 : vector<16xi32>
              %add3A_152 = arith.addi %mul3A_151, %iota3A : vector<16xi32>
              %scan3A_153 = arith.constant 0 : i32
              %scan3A_154 = arith.constant 0 : i32
              %scan3A_155 = arith.constant 32 : i32
              %scan3A_156 = arith.addi %scan3A_154, %scan3A_155 : i32
              %scan3A_157 = arith.constant 4 : i32
              %scan3A_158 = scf.for %scan3A_161 = %scan3A_154 to %scan3A_156 step %scan3A_157 iter_args(%scan3A_162 = %scan3A_153) -> (i32)  : i32 {
                %mul3A_163 = arith.constant 16 : i32
                %mul3A_164 = arith.muli %scan3A_68, %mul3A_163 : i32
                %add3A_165 = arith.addi %mul3A_164, %scan3A_136 : i32
                %mul3A_166 = arith.constant 16 : i32
                %mul3A_167 = arith.muli %scan3A_161, %mul3A_166 : i32
                %get3A_168 = arith.index_cast %add3A_165 : i32 to index
                %get3A_169 = arith.index_cast %mul3A_167 : i32 to index
                %get3A_170 = tpu.vector_load %arg9[%get3A_168, %get3A_169] {strides = array<i32>} : memref<64x512xf32, #tpu.memory_space<vmem>>, vector<16xf32>,
                %mul3A_171 = arith.constant 16 : i32
                %mul3A_172 = arith.muli %scan3A_161, %mul3A_171 : i32
                %add3A_173 = vector.broadcast %mul3A_172 : i32 to vector<16xi32>
                %add3A_174 = arith.addi %add3A_152, %add3A_173 : vector<16xi32>
                tpu.vector_store_idx %arg12[%add3A_174], %get3A_170 {add = true} : memref<32768xf32, #tpu.memory_space<vmem>>[vector<16xi32>], vector<16xf32>,
                %scan3A_175 = arith.constant 0 : i32
                %scan3A_176 = arith.constant 1 : i32
                %scan3A_177 = arith.addi %scan3A_161, %scan3A_176 : i32
                %mul3A_178 = arith.constant 16 : i32
                %mul3A_179 = arith.muli %scan3A_68, %mul3A_178 : i32
                %add3A_180 = arith.addi %mul3A_179, %scan3A_136 : i32
                %mul3A_181 = arith.constant 16 : i32
                %mul3A_182 = arith.muli %scan3A_177, %mul3A_181 : i32
                %get3A_183 = arith.index_cast %add3A_180 : i32 to index
                %get3A_184 = arith.index_cast %mul3A_182 : i32 to index
                %get3A_185 = tpu.vector_load %arg9[%get3A_183, %get3A_184] {strides = array<i32>} : memref<64x512xf32, #tpu.memory_space<vmem>>, vector<16xf32>,
                %mul3A_186 = arith.constant 16 : i32
                %mul3A_187 = arith.muli %scan3A_177, %mul3A_186 : i32
                %add3A_188 = vector.broadcast %mul3A_187 : i32 to vector<16xi32>
                %add3A_189 = arith.addi %add3A_152, %add3A_188 : vector<16xi32>
                tpu.vector_store_idx %arg12[%add3A_189], %get3A_185 {add = true} : memref<32768xf32, #tpu.memory_space<vmem>>[vector<16xi32>], vector<16xf32>,
                %scan3A_190 = arith.constant 0 : i32
                %scan3A_191 = arith.constant 2 : i32
                %scan3A_192 = arith.addi %scan3A_161, %scan3A_191 : i32
                %mul3A_193 = arith.constant 16 : i32
                %mul3A_194 = arith.muli %scan3A_68, %mul3A_193 : i32
                %add3A_195 = arith.addi %mul3A_194, %scan3A_136 : i32
                %mul3A_196 = arith.constant 16 : i32
                %mul3A_197 = arith.muli %scan3A_192, %mul3A_196 : i32
                %get3A_198 = arith.index_cast %add3A_195 : i32 to index
                %get3A_199 = arith.index_cast %mul3A_197 : i32 to index
                %get3A_200 = tpu.vector_load %arg9[%get3A_198, %get3A_199] {strides = array<i32>} : memref<64x512xf32, #tpu.memory_space<vmem>>, vector<16xf32>,
                %mul3A_201 = arith.constant 16 : i32
                %mul3A_202 = arith.muli %scan3A_192, %mul3A_201 : i32
                %add3A_203 = vector.broadcast %mul3A_202 : i32 to vector<16xi32>
                %add3A_204 = arith.addi %add3A_152, %add3A_203 : vector<16xi32>
                tpu.vector_store_idx %arg12[%add3A_204], %get3A_200 {add = true} : memref<32768xf32, #tpu.memory_space<vmem>>[vector<16xi32>], vector<16xf32>,
                %scan3A_205 = arith.constant 0 : i32
                %scan3A_206 = arith.constant 3 : i32
                %scan3A_207 = arith.addi %scan3A_161, %scan3A_206 : i32
                %mul3A_208 = arith.constant 16 : i32
                %mul3A_209 = arith.muli %scan3A_68, %mul3A_208 : i32
                %add3A_210 = arith.addi %mul3A_209, %scan3A_136 : i32
                %mul3A_211 = arith.constant 16 : i32
                %mul3A_212 = arith.muli %scan3A_207, %mul3A_211 : i32
                %get3A_213 = arith.index_cast %add3A_210 : i32 to index
                %get3A_214 = arith.index_cast %mul3A_212 : i32 to index
                %get3A_215 = tpu.vector_load %arg9[%get3A_213, %get3A_214] {strides = array<i32>} : memref<64x512xf32, #tpu.memory_space<vmem>>, vector<16xf32>,
                %mul3A_216 = arith.constant 16 : i32
                %mul3A_217 = arith.muli %scan3A_207, %mul3A_216 : i32
                %add3A_218 = vector.broadcast %mul3A_217 : i32 to vector<16xi32>
                %add3A_219 = arith.addi %add3A_152, %add3A_218 : vector<16xi32>
                tpu.vector_store_idx %arg12[%add3A_219], %get3A_215 {add = true} : memref<32768xf32, #tpu.memory_space<vmem>>[vector<16xi32>], vector<16xf32>,
                %scan3A_220 = arith.constant 0 : i32
                scf.yield %scan3A_220 : i32
              }
              %scan3A_159 = arith.constant 32 : i32
              %scan3A_160 = arith.constant 0 : i32
              scf.yield %scan3A_160 : i32
            }
            %scan3A_135 = arith.constant 16 : i32
          }
        }
        %scan3A_112 = arith.constant 0 : i32
        scf.yield %scan3A_112 : i32
      }
      %scan3A_61 = arith.constant 4 : i32
      %lt3A_62 = arith.constant 1 : i32
      %lt3A_63 = arith.cmpi slt, %scan3A_25, %lt3A_62 : i32
      %convert_element_type3A_64 = arith.extui %lt3A_63 : i1 to i32
      %cond3A_65 = arith.constant 0 : i32
      %cond3A_66 = arith.cmpi ne, %convert_element_type3A_64, %cond3A_65 : i32
      scf.if %cond3A_66 {
        %mul3A_68 = arith.constant 2 : i32
        %mul3A_69 = arith.muli %mul3A_68, %scan3A_25 : i32
        %add3A_70 = arith.constant 3 : i32
        %add3A_71 = arith.addi %mul3A_69, %add3A_70 : i32
        %mul3A_72 = arith.constant 64 : i32
        %mul3A_73 = arith.muli %add3A_71, %mul3A_72 : i32
        %add3A_74 = arith.addi %mul3A_3, %mul3A_73 : i32
        %dma_start3A_75 = arith.constant 0 : i32
        %dma_start3A_76 = tpu.memref_slice %arg2[%add3A_74, %dma_start3A_75] : memref<8192x512xf32, #tpu.memory_space<hbm>> -> memref<64x512xf32, #tpu.memory_space<hbm>>
        %dma_start3A_77 = arith.constant 0 : i32
        %dma_start3A_78 = tpu.memref_slice %arg2[%add3A_74, %dma_start3A_77] : memref<8192x512xf32, #tpu.memory_space<hbm>> -> memref<64x512xf32, #tpu.memory_space<hbm>>
        tpu.enqueue_dma source(%dma_start3A_78 : memref<64x512xf32, #tpu.memory_space<hbm>>) target(%arg9 : memref<64x512xf32, #tpu.memory_space<vmem>>) target_semaphore(%arg15 : memref<!tpu.dma_semaphore, #tpu.memory_space<semaphore_mem>>)
        %dma_start3A_79 = tpu.memref_slice %arg3[%add3A_74] : memref<8192xi32, #tpu.memory_space<hbm>> -> memref<64xi32, #tpu.memory_space<hbm>>
        %dma_start3A_80 = tpu.memref_slice %arg3[%add3A_74] : memref<8192xi32, #tpu.memory_space<hbm>> -> memref<64xi32, #tpu.memory_space<hbm>>
        tpu.enqueue_dma source(%dma_start3A_80 : memref<64xi32, #tpu.memory_space<hbm>>) target(%arg11 : memref<64xi32, #tpu.memory_space<vmem>>) target_semaphore(%arg17 : memref<!tpu.dma_semaphore, #tpu.memory_space<semaphore_mem>>)
      } else {
      }
      %scan3A_67 = arith.constant 0 : i32
      scf.yield %scan3A_67 : i32
    }
    %scan3A_24 = arith.constant 2 : i32
    "tpu.region"() ({
      %run_scoped3A = tpu.sem_alloc : memref<!tpu.dma_semaphore, #tpu.memory_space<semaphore_mem>>
      %dma_start3A_25 = arith.constant 0 : i32
      %dma_start3A_26 = tpu.memref_slice %arg6[%add3A, %dma_start3A_25] : memref<32x32768xf32, #tpu.memory_space<hbm>> -> memref<1x32768xf32, #tpu.memory_space<hbm>>
      %dma_start3A_27 = tpu.memref_squeeze %dma_start3A_26 : memref<1x32768xf32, #tpu.memory_space<hbm>> -> memref<32768xf32, #tpu.memory_space<hbm>>
      %dma_start3A_28 = arith.constant 0 : i32
      %dma_start3A_29 = tpu.memref_slice %arg6[%add3A, %dma_start3A_28] : memref<32x32768xf32, #tpu.memory_space<hbm>> -> memref<1x32768xf32, #tpu.memory_space<hbm>>
      %dma_start3A_30 = tpu.memref_squeeze %dma_start3A_29 : memref<1x32768xf32, #tpu.memory_space<hbm>> -> memref<32768xf32, #tpu.memory_space<hbm>>
      tpu.enqueue_dma source(%arg12 : memref<32768xf32, #tpu.memory_space<vmem>>) target(%dma_start3A_30 : memref<32768xf32, #tpu.memory_space<hbm>>) target_semaphore(%run_scoped3A : memref<!tpu.dma_semaphore, #tpu.memory_space<semaphore_mem>>)
      %dma_wait3A = arith.constant 0 : i32
      %dma_wait3A_31 = tpu.memref_slice %arg6[%add3A, %dma_wait3A] : memref<32x32768xf32, #tpu.memory_space<hbm>> -> memref<1x32768xf32, #tpu.memory_space<hbm>>
      %dma_wait3A_32 = tpu.memref_squeeze %dma_wait3A_31 : memref<1x32768xf32, #tpu.memory_space<hbm>> -> memref<32768xf32, #tpu.memory_space<hbm>>
      %dma_wait3A_33 = arith.constant 0 : i32
      %dma_wait3A_34 = tpu.memref_slice %arg6[%add3A, %dma_wait3A_33] : memref<32x32768xf32, #tpu.memory_space<hbm>> -> memref<1x32768xf32, #tpu.memory_space<hbm>>
      %dma_wait3A_35 = tpu.memref_squeeze %dma_wait3A_34 : memref<1x32768xf32, #tpu.memory_space<hbm>> -> memref<32768xf32, #tpu.memory_space<hbm>>
      tpu.wait_dma2 semaphore(%run_scoped3A : memref<!tpu.dma_semaphore, #tpu.memory_space<semaphore_mem>>) src(%arg12 : memref<32768xf32, #tpu.memory_space<vmem>>) dst(%dma_wait3A_35 : memref<32768xf32, #tpu.memory_space<hbm>>)
      tpu.yield
    }) : () -> ()
    "tpu.region"() ({
      %run_scoped3A = tpu.sem_alloc : memref<!tpu.dma_semaphore, #tpu.memory_space<semaphore_mem>>
      %dma_start3A_25 = arith.constant 0 : i32
      %dma_start3A_26 = tpu.memref_slice %arg7[%add3A, %dma_start3A_25] : memref<32x8192xf32, #tpu.memory_space<hbm>> -> memref<1x8192xf32, #tpu.memory_space<hbm>>
      %dma_start3A_27 = tpu.memref_squeeze %dma_start3A_26 : memref<1x8192xf32, #tpu.memory_space<hbm>> -> memref<8192xf32, #tpu.memory_space<hbm>>
      %dma_start3A_28 = arith.constant 0 : i32
      %dma_start3A_29 = tpu.memref_slice %arg7[%add3A, %dma_start3A_28] : memref<32x8192xf32, #tpu.memory_space<hbm>> -> memref<1x8192xf32, #tpu.memory_space<hbm>>
      %dma_start3A_30 = tpu.memref_squeeze %dma_start3A_29 : memref<1x8192xf32, #tpu.memory_space<hbm>> -> memref<8192xf32, #tpu.memory_space<hbm>>
      tpu.enqueue_dma source(%arg13 : memref<8192xf32, #tpu.memory_space<vmem>>) target(%dma_start3A_30 : memref<8192xf32, #tpu.memory_space<hbm>>) target_semaphore(%run_scoped3A : memref<!tpu.dma_semaphore, #tpu.memory_space<semaphore_mem>>)
      %dma_wait3A = arith.constant 0 : i32
      %dma_wait3A_31 = tpu.memref_slice %arg7[%add3A, %dma_wait3A] : memref<32x8192xf32, #tpu.memory_space<hbm>> -> memref<1x8192xf32, #tpu.memory_space<hbm>>
      %dma_wait3A_32 = tpu.memref_squeeze %dma_wait3A_31 : memref<1x8192xf32, #tpu.memory_space<hbm>> -> memref<8192xf32, #tpu.memory_space<hbm>>
      %dma_wait3A_33 = arith.constant 0 : i32
      %dma_wait3A_34 = tpu.memref_slice %arg7[%add3A, %dma_wait3A_33] : memref<32x8192xf32, #tpu.memory_space<hbm>> -> memref<1x8192xf32, #tpu.memory_space<hbm>>
      %dma_wait3A_35 = tpu.memref_squeeze %dma_wait3A_34 : memref<1x8192xf32, #tpu.memory_space<hbm>> -> memref<8192xf32, #tpu.memory_space<hbm>>
      tpu.wait_dma2 semaphore(%run_scoped3A : memref<!tpu.dma_semaphore, #tpu.memory_space<semaphore_mem>>) src(%arg13 : memref<8192xf32, #tpu.memory_space<vmem>>) dst(%dma_wait3A_35 : memref<8192xf32, #tpu.memory_space<hbm>>)
      tpu.yield
    }) : () -> ()
    return
  }
}

module attributes {stable_mosaic.version = 14 : i64} {
  func.func @_q2_body(%arg0: i32, %arg1: memref<2048x512xf32, #tpu.memory_space<vmem>>, %arg2: memref<8x2048xf32, #tpu.memory_space<vmem>>) attributes {dimension_semantics = [#tpu.dimension_semantics<arbitrary>], iteration_bounds = array<i64: 8>, scalar_prefetch = 0 : i64, scratch_operands = 0 : i64, tpu.core_type = #tpu.core_type<tc>, window_params = [{transform_indices = @transform_0, window_bounds = array<i64: 2048, 512>}, {transform_indices = @transform_1, window_bounds = array<i64: 8, 2048>}]} {
    %get3A = arith.constant 0 : index
    %get3A_0 = arith.constant 0 : index
    %get3A_1 = vector.load %arg1[%get3A, %get3A_0] : memref<2048x512xf32, #tpu.memory_space<vmem>>, vector<2048x512xf32>
    %broadcast_in_dim3A = arith.constant 1.000000e+00 : f32
    %broadcast_in_dim3A_2 = vector.broadcast %broadcast_in_dim3A : f32 to vector<8x512xf32>
    %mul3A = arith.mulf %get3A_1, %get3A_1 : vector<2048x512xf32>
    %dot_general3A = arith.constant dense<0.000000e+00> : vector<8x2048xf32>
    %dot_general3A_3 = tpu.matmul %broadcast_in_dim3A_2, %mul3A, %dot_general3A {dimension_numbers = #tpu.dot_dimension_numbers<[1], [1], [0], [0], [0, 0, 1, 0], [], []>, transpose_lhs_hint = false} : vector<8x512xf32>, vector<2048x512xf32>, vector<8x2048xf32> -> vector<8x2048xf32>
    %swap3A = arith.constant 0 : index
    %swap3A_4 = arith.constant 0 : index
    %swap3A_5 = vector.load %arg2[%swap3A, %swap3A_4] : memref<8x2048xf32, #tpu.memory_space<vmem>>, vector<8x2048xf32>
    tpu.vector_store %arg2[%swap3A, %swap3A_4], %dot_general3A_3 {strides = array<i32>} : memref<8x2048xf32, #tpu.memory_space<vmem>>, vector<8x2048xf32>,
    return
  }
  func.func @transform_0(%arg0: i32) -> (i32, i32) {
    %c0_i32 = arith.constant 0 : i32
    %c0_i32_0 = arith.constant 0 : i32
    return %arg0, %c0_i32 : i32, i32
  }
  func.func @transform_1(%arg0: i32) -> (i32, i32) {
    %c0_i32 = arith.constant 0 : i32
    %c0_i32_0 = arith.constant 0 : i32
    return %c0_i32, %arg0 : i32, i32
  }
}

module attributes {stable_mosaic.version = 14 : i64} {
  func.func @_tc_body(%arg0: i32, %arg1: memref<32x32768xf32, #tpu.memory_space<vmem>>, %arg2: memref<32x8192xf32, #tpu.memory_space<vmem>>, %arg3: memref<2048x512xf32, #tpu.memory_space<vmem>>, %arg4: memref<8x2048xf32, #tpu.memory_space<vmem>>, %arg5: memref<64x2048xf32, #tpu.memory_space<vmem>>, %arg6: memref<64x512xf32, #tpu.memory_space<vmem>>, %arg7: memref<64x1xf32, #tpu.memory_space<vmem>>) attributes {dimension_semantics = [#tpu.dimension_semantics<arbitrary>], iteration_bounds = array<i64: 8>, scalar_prefetch = 0 : i64, scratch_operands = 2 : i64, tpu.core_type = #tpu.core_type<tc>, window_params = [{pipeline_mode = #tpu.pipeline_mode<synchronous>, transform_indices = @transform_0, window_bounds = array<i64: 32, 32768>}, {pipeline_mode = #tpu.pipeline_mode<synchronous>, transform_indices = @transform_1, window_bounds = array<i64: 32, 8192>}, {transform_indices = @transform_2, window_bounds = array<i64: 2048, 512>}, {transform_indices = @transform_3, window_bounds = array<i64: 8, 2048>}, {transform_indices = @transform_4, window_bounds = array<i64: 64, 2048>}]} {
    %eq3A = arith.constant 0 : i32
    %eq3A_0 = arith.cmpi eq, %arg0, %eq3A : i32
    %convert_element_type3A = arith.extui %eq3A_0 : i1 to i32
    %cond3A = arith.constant 0 : i32
    %cond3A_1 = arith.cmpi ne, %convert_element_type3A, %cond3A : i32
    scf.if %cond3A_1 {
      %get3A_23 = arith.constant 0 : index
      %get3A_24 = arith.constant 0 : index
      %get3A_25 = vector.load %arg1[%get3A_23, %get3A_24] : memref<32x32768xf32, #tpu.memory_space<vmem>>, vector<32x32768xf32>
      %reduce_sum3A = arith.constant dense<0.000000e+00> : vector<32768xf32>
      %reduce_sum3A_26 = vector.multi_reduction <add>, %get3A_25, %reduce_sum3A [0] : vector<32x32768xf32> to vector<32768xf32>
      %reshape3A = vector.shape_cast %reduce_sum3A_26 : vector<32768xf32> to vector<64x512xf32>
      %get3A_27 = arith.constant 0 : index
      %get3A_28 = arith.constant 0 : index
      %get3A_29 = vector.load %arg2[%get3A_27, %get3A_28] : memref<32x8192xf32, #tpu.memory_space<vmem>>, vector<32x8192xf32>
      %reduce_sum3A_30 = arith.constant dense<0.000000e+00> : vector<8192xf32>
      %reduce_sum3A_31 = vector.multi_reduction <add>, %get3A_29, %reduce_sum3A_30 [0] : vector<32x8192xf32> to vector<8192xf32>
      %reshape3A_32 = vector.shape_cast %reduce_sum3A_31 : vector<8192xf32> to vector<64x128xf32>
      %reduce_sum3A_33 = arith.constant dense<0.000000e+00> : vector<64xf32>
      %reduce_sum3A_34 = vector.multi_reduction <add>, %reshape3A_32, %reduce_sum3A_33 [1] : vector<64x128xf32> to vector<64xf32>
      %broadcast_in_dim3A = vector.shape_cast %reduce_sum3A_34 : vector<64xf32> to vector<64x1xf32>
      %div3A = vector.broadcast %broadcast_in_dim3A : vector<64x1xf32> to vector<64x512xf32>
      %div3A_35 = arith.divf %reshape3A, %div3A : vector<64x512xf32>
      %mul3A = arith.constant -2.000000e+00 : f32
      %mul3A_36 = vector.broadcast %mul3A : f32 to vector<64x512xf32>
      %mul3A_37 = arith.mulf %mul3A_36, %div3A_35 : vector<64x512xf32>
      %swap3A_38 = arith.constant 0 : index
      %swap3A_39 = arith.constant 0 : index
      %swap3A_40 = vector.load %arg6[%swap3A_38, %swap3A_39] : memref<64x512xf32, #tpu.memory_space<vmem>>, vector<64x512xf32>
      tpu.vector_store %arg6[%swap3A_38, %swap3A_39], %mul3A_37 {strides = array<i32>} : memref<64x512xf32, #tpu.memory_space<vmem>>, vector<64x512xf32>,
      %mul3A_41 = arith.mulf %div3A_35, %div3A_35 : vector<64x512xf32>
      %reduce_sum3A_42 = arith.constant dense<0.000000e+00> : vector<64xf32>
      %reduce_sum3A_43 = vector.multi_reduction <add>, %mul3A_41, %reduce_sum3A_42 [1] : vector<64x512xf32> to vector<64xf32>
      %broadcast_in_dim3A_44 = vector.shape_cast %reduce_sum3A_43 : vector<64xf32> to vector<64x1xf32>
      %swap3A_45 = arith.constant 0 : index
      %swap3A_46 = arith.constant 0 : index
      %swap3A_47 = vector.load %arg7[%swap3A_45, %swap3A_46] : memref<64x1xf32, #tpu.memory_space<vmem>>, vector<64x1xf32>
      tpu.vector_store %arg7[%swap3A_45, %swap3A_46], %broadcast_in_dim3A_44 {strides = array<i32>} : memref<64x1xf32, #tpu.memory_space<vmem>>, vector<64x1xf32>,
    } else {
    }
    %get3A = arith.constant 0 : index
    %get3A_2 = arith.constant 0 : index
    %get3A_3 = vector.load %arg3[%get3A, %get3A_2] : memref<2048x512xf32, #tpu.memory_space<vmem>>, vector<2048x512xf32>
    %get3A_4 = arith.constant 0 : index
    %get3A_5 = arith.constant 0 : index
    %get3A_6 = vector.load %arg6[%get3A_4, %get3A_5] : memref<64x512xf32, #tpu.memory_space<vmem>>, vector<64x512xf32>
    %dot_general3A = arith.constant dense<0.000000e+00> : vector<64x2048xf32>
    %dot_general3A_7 = tpu.matmul %get3A_6, %get3A_3, %dot_general3A {dimension_numbers = #tpu.dot_dimension_numbers<[1], [1], [0], [0], [0, 0, 1, 0], [], []>, transpose_lhs_hint = false} : vector<64x512xf32>, vector<2048x512xf32>, vector<64x2048xf32> -> vector<64x2048xf32>
    %get3A_8 = arith.constant 0 : index
    %get3A_9 = arith.constant 0 : index
    %get3A_10 = vector.load %arg4[%get3A_8, %get3A_9] : memref<8x2048xf32, #tpu.memory_space<vmem>>, vector<1x2048xf32>
    %get3A_11 = arith.constant 0 : index
    %get3A_12 = arith.constant 0 : index
    %get3A_13 = vector.load %arg7[%get3A_11, %get3A_12] : memref<64x1xf32, #tpu.memory_space<vmem>>, vector<64x1xf32>
    %add3A = vector.broadcast %get3A_10 : vector<1x2048xf32> to vector<64x2048xf32>
    %add3A_14 = vector.broadcast %get3A_13 : vector<64x1xf32> to vector<64x2048xf32>
    %add3A_15 = arith.addf %add3A, %add3A_14 : vector<64x2048xf32>
    %add3A_16 = arith.addf %add3A_15, %dot_general3A_7 : vector<64x2048xf32>
    %max3A = arith.constant 0.000000e+00 : f32
    %max3A_17 = vector.broadcast %max3A : f32 to vector<64x2048xf32>
    %max3A_18 = arith.maximumf %add3A_16, %max3A_17 : vector<64x2048xf32>
    %sqrt3A = math.sqrt %max3A_18 : vector<64x2048xf32>
    %neg3A = arith.constant 0.000000e+00 : f32
    %neg3A_19 = vector.broadcast %neg3A : f32 to vector<64x2048xf32>
    %neg3A_20 = arith.subf %neg3A_19, %sqrt3A : vector<64x2048xf32>
    %swap3A = arith.constant 0 : index
    %swap3A_21 = arith.constant 0 : index
    %swap3A_22 = vector.load %arg5[%swap3A, %swap3A_21] : memref<64x2048xf32, #tpu.memory_space<vmem>>, vector<64x2048xf32>
    tpu.vector_store %arg5[%swap3A, %swap3A_21], %neg3A_20 {strides = array<i32>} : memref<64x2048xf32, #tpu.memory_space<vmem>>, vector<64x2048xf32>,
    return
  }
  func.func @transform_0(%arg0: i32) -> (i32, i32) {
    %c0_i32 = arith.constant 0 : i32
    %c0_i32_0 = arith.constant 0 : i32
    %c0_i32_1 = arith.constant 0 : i32
    return %c0_i32, %c0_i32_0 : i32, i32
  }
  func.func @transform_1(%arg0: i32) -> (i32, i32) {
    %c0_i32 = arith.constant 0 : i32
    %c0_i32_0 = arith.constant 0 : i32
    %c0_i32_1 = arith.constant 0 : i32
    return %c0_i32, %c0_i32_0 : i32, i32
  }
  func.func @transform_2(%arg0: i32) -> (i32, i32) {
    %c0_i32 = arith.constant 0 : i32
    %c0_i32_0 = arith.constant 0 : i32
    return %arg0, %c0_i32 : i32, i32
  }
  func.func @transform_3(%arg0: i32) -> (i32, i32) {
    %c0_i32 = arith.constant 0 : i32
    %c0_i32_0 = arith.constant 0 : i32
    return %c0_i32, %arg0 : i32, i32
  }
  func.func @transform_4(%arg0: i32) -> (i32, i32) {
    %c0_i32 = arith.constant 0 : i32
    %c0_i32_0 = arith.constant 0 : i32
    return %c0_i32, %arg0 : i32, i32
  }
}

</mosaic_0001>

<sc_bundles>
// kernel: kernel.5.cloned.1.call-start
scs
__scs_entry_jumppad:
0x0: {  	(pc) =	sbr.rel $0x88, $3  }
0x1: {  	(tag) =	ssettag $0x0;
	lr =	simm.s32 $0x1  }
0x2: {  	[smem:$0x3F9E] =	sst lr;
	_ =	strace $0xD0000000  }
0x3: {  	_ = 	snop  }
0x4: {  	_ = 	snop  }
0x5: {  	_ = 	snop  }
0x6: {  	_ = 	snop  }
0x7: {  	_ = 	snop  }
__scs_overlays_trampoline_lowered:
0x8: {  	[smem:$0x3FAD] =	sst s0  }
0x9: {  	[smem:$0x3FAE] =	sst s1  }
0xa: {  	[smem:$0x3FAF] =	sst s2  }
0xb: {  	[smem:$0x3FB0] =	sst s3  }
0xc: {  	[smem:$0x3FB1] =	sst s4  }
0xd: {  	[smem:$0x3FB2] =	sst s5  }
0xe: {  	[smem:$0x3FB3] =	sst s6  }
0xf: {  	[smem:$0x3FB4] =	sst s7  }
0x10: {  	[smem:$0x3FB5] =	sst s8  }
0x11: {  	[smem:$0x3FB6] =	sst s9;
	s0 =	simm.s32 @!p0 $0x0  }
0x12: {  	s1 =	sld [smem:$0x3F9C];
	s0 =	simm.s32 @p0 $0x1  }
0x13: {  	[smem:$0x3FB7] =	sst s0;
	s0 =	simm.s32 @!p1 $0x0  }
0x14: {  	s2 =	sld [smem:$0x3F9B];
	s0 =	simm.s32 @p1 $0x1  }
0x15: {  	[smem:$0x3FB8] =	sst s0;
	s0 =	simm.s32 @!p2 $0x0  }
0x16: {  	s3 =	sld [smem:$0x3FDB];
	s0 =	simm.s32 @p2 $0x1  }
0x17: {  	s4 =	simm.s32 $0x1BF5;
	[smem:$0x3FBA] =	sst s0  }
0x18: {  	s0 =	sld [smem:$0x3F9D];
	_ =	swait.ge [sflag:s4], $0x0  }
0x19: {  	s7 =	sld [smem:$0x3F9E]  }
0x1a: {  	s8 =	sadd.s32 $0xFFFFE003, lr  }
0x1b: {  	s9 =	sadd.s32 $0xFFFFFEF7, lr;
	s5 =	simm.s32 $0xFFFFFFFF;
	p2 =	slt.u32 s8, $0xFFFFF086  }
0x1c: {  	p1 =	slt.u32 s9, $0xF7A;
	s5 =	simm.s32 @!p2 $0x0  }
0x1d: {  	s5 =	simm.s32 @p1 $0x1;
	p0 =	seq.s32 s7, s2  }
0x1e: {  	s7 =	smul.u32 @!p0 $0xF7A, s2;
	p2 =	seq.s32 @!p0 s5, $0x0  }
0x1f: {  	s9 =	smul.u32 $0xF7A, s1;
	s8 =	simm.s32 @!p0 $0x1BF5;
	p2 =	por !p2, p0  }
0x20: {  	[sflag:s8] =	ssyncset.s32 @!p0 $0xFFFFF086;
	s6 =	sadd.s32 @!p0 s3, s7;
	s7 =	simm.s32 @!p0 $0x108  }
0x21: {  	s3 =	sadd.s32 s3, s9;
	s6 =	sadd.s32 @!p0 $0x88, s6;
	s7 =	simm.s32 @p2 $0x1082  }
0x22: {  	[simem:s7], [sflag:s8] =	dma.local @!p0 [hbm:s6], $0xF7A  }
0x23: {  	s9 =	sor.u32 $0xD0000000, s2;
	s6 =	simm.s32 $0x108;
	_ =	swait.ge @!p0 [sflag:s8], $0x0  }
0x24: {  	s3 =	sadd.s32 $0x88, s3;
	s6 =	simm.s32 @!p1 $0x1082;
	[sflag:s4] =	ssyncset.s32 $0xFFFFF086  }
0x25: {  	[simem:s6], [sflag:s4] =	dma.local [hbm:s3], $0xF7A  }
0x26: {  	[smem:$0x3F9E] =	sst s1;
	(tag) =	ssettag s2;
	_ =	strace s9  }
0x27: {  	s1 =	sld [smem:$0x3FAE]  }
0x28: {  	s2 =	sld [smem:$0x3FAF]  }
0x29: {  	s4 =	sld [smem:$0x3FB1]  }
0x2a: {  	p0 =	seq.s32 s5, $0x0;
	s5 =	sld [smem:$0x3FB2]  }
0x2b: {  	s6 =	sld [smem:$0x3FB3]  }
0x2c: {  	s7 =	sld [smem:$0x3FB4]  }
0x2d: {  	s3 =	simm.s32 $0x108;
	s8 =	sld [smem:$0x3FB5]  }
0x2e: {  	s3 =	simm.s32 @!p0 $0x1082;
	s9 =	sld [smem:$0x3FB6]  }
0x2f: {  	lr =	sadd.s32 s0, s3;
	s0 =	sld [smem:$0x3FAD]  }
0x30: {  	s3 =	sld [smem:$0x3FB0]  }
0x31: {  	[smem:$0x3FB9] =	sst s10  }
0x32: {  	s10 =	sld [smem:$0x3FB7];
	_ =	sdelay $0x3  }
0x33: {  	p0 =	seq.s32 s10, $0x1;
	s10 =	sld [smem:$0x3FB9];
	_ =	sdelay $0x3  }
0x34: {  	[smem:$0x3FB9] =	sst s10  }
0x35: {  	s10 =	sld [smem:$0x3FB8];
	_ =	sdelay $0x3  }
0x36: {  	p1 =	seq.s32 s10, $0x1;
	s10 =	sld [smem:$0x3FB9];
	_ =	sdelay $0x3  }
0x37: {  	[smem:$0x3FB9] =	sst s10  }
0x38: {  	s10 =	sld [smem:$0x3FBA]  }
0x39: {  	_ = 	snop;
	(pc) =	sbr.ind lr, $3  }
0x3a: {  	_ = 	snop  }
0x3b: {  	_ = 	snop  }
0x3c: {  	p2 =	seq.s32 s10, $0x1;
	s10 =	sld [smem:$0x3FB9]  }
0x3d: {  	_ =	shalt  }
0x3e: {  	_ =	shalt  }
0x3f: {  	_ =	shalt  }
0x40: {  	_ =	shalt  }
0x41: {  	_ =	shalt  }
0x42: {  	_ =	shalt  }
0x43: {  	_ =	shalt  }
0x44: {  	_ =	shalt  }
0x45: {  	_ =	shalt  }
0x46: {  	_ =	shalt  }
0x47: {  	_ =	shalt  }
0x48: {  	_ =	shalt  }
0x49: {  	_ =	shalt  }
0x4a: {  	_ =	shalt  }
0x4b: {  	_ =	shalt  }
0x4c: {  	_ =	shalt  }
0x4d: {  	_ =	shalt  }
0x4e: {  	_ =	shalt  }
0x4f: {  	_ =	shalt  }
0x50: {  	_ =	shalt  }
0x51: {  	_ =	shalt  }
0x52: {  	_ =	shalt  }
0x53: {  	_ =	shalt  }
0x54: {  	_ =	shalt  }
0x55: {  	_ =	shalt  }
0x56: {  	_ =	shalt  }
0x57: {  	_ =	shalt  }
0x58: {  	_ =	shalt  }
0x59: {  	_ =	shalt  }
0x5a: {  	_ =	shalt  }
0x5b: {  	_ =	shalt  }
0x5c: {  	_ =	shalt  }
0x5d: {  	_ =	shalt  }
0x5e: {  	_ =	shalt  }
0x5f: {  	_ =	shalt  }
0x60: {  	_ =	shalt  }
0x61: {  	_ =	shalt  }
0x62: {  	_ =	shalt  }
0x63: {  	_ =	shalt  }
0x64: {  	_ =	shalt  }
0x65: {  	_ =	shalt  }
0x66: {  	_ =	shalt  }
0x67: {  	_ =	shalt  }
0x68: {  	_ =	shalt  }
0x69: {  	_ =	shalt  }
0x6a: {  	_ =	shalt  }
0x6b: {  	_ =	shalt  }
0x6c: {  	_ =	shalt  }
0x6d: {  	_ =	shalt  }
0x6e: {  	_ =	shalt  }
0x6f: {  	_ =	shalt  }
0x70: {  	_ =	shalt  }
0x71: {  	_ =	shalt  }
0x72: {  	_ =	shalt  }
0x73: {  	_ =	shalt  }
0x74: {  	_ =	shalt  }
0x75: {  	_ =	shalt  }
0x76: {  	_ =	shalt  }
0x77: {  	_ =	shalt  }
0x78: {  	_ =	shalt  }
0x79: {  	_ =	shalt  }
0x7a: {  	_ =	shalt  }
0x7b: {  	_ =	shalt  }
0x7c: {  	_ =	shalt  }
0x7d: {  	_ =	shalt  }
0x7e: {  	_ =	shalt  }
0x7f: {  	_ =	shalt  }
0x80: {  	_ =	shalt  }
0x81: {  	_ =	shalt  }
0x82: {  	_ =	shalt  }
0x83: {  	_ =	shalt  }
0x84: {  	_ =	shalt  }
0x85: {  	_ =	shalt  }
0x86: {  	_ =	shalt  }
0x87: {  	_ =	shalt  }
.Lfunc_end0:
.L_simem_size_0:
called_computation_lowered:
.L_overlay_start_0:
0x88: {  	s2 =	sld [smem:$0x3FD9]  }
0x89: {  	s3 =	sld [smem:$0x3FFE];
	_ =	sdelay $0x1  }
0x8a: {  	s1 =	srdreg.scid  }
0x8b: {  	s0 =	sand.u32 $0x1, s1  }
0x8c: {  	s17 =	sshll.u32 s0, $0xA;
	s2 =	sadd.s32 s3, s2  }
0x8d: {  	s2 =	sadd.s32 s2, s17  }
0x8e: {  	[smem:$0x3FC5] =	sst s2  }
0x8f: {  	_ = 	snop  }
0x90: {  	s2 =	sld [smem:$0x3FC9]  }
0x91: {  	s18 =	sld [smem:$0x3FC8]  }
0x92: {  	s4 =	sld [smem:$0x3FD0];
	(tm) =	ssettm $0x1  }
0x93: {  	s5 =	sld [smem:$0x3FFB];
	_ =	sdelay $0x3  }
0x94: {  	_ =	strace s5  }
0x95: {  	s5 =	sld [smem:$0x3FFC];
	_ =	sdelay $0x3  }
0x96: {  	_ =	strace s5  }
0x97: {  	s5 =	sld [smem:$0x3FFD];
	_ =	sdelay $0x3  }
0x98: {  	_ =	strace s5  }
0x99: {  	_ =	strace $0x8FFFFFFF  }
0x9a: {  	s19 =	sld [smem:$0x3FDB];
	_ =	sdelay $0x1  }
0x9b: {  	s6 =	simm.s32 $_scs_section_size  }
0x9c: {  	s7 =	simm.s32 $_size__tile_overlayer_lowered;
	s8 =	simm.s32 $_tile_overlayer_lowered  }
0x9d: {  	s22 =	simm.s32 $0x1BFF;
	s21 =	sshll.u32 s8, $0x1;
	s5 =	sadd.s32 s6, s19  }
0x9e: {  	s9 =	simm.s32 $0x0;
	s20 =	sshll.u32 s7, $0x1;
	s7 =	sadd.s32 s21, s5  }
0x9f: {  	[timem:s9], [sflag:s22] =	dma.local [hbm:s7], s20  }
0xa0: {  	_ =	swait.ge [sflag:s22], s20  }
0xa1: {  	s6 =	ssub.s32 $0x0, s20;
	[sflag:s22] =	ssyncset.done $0x0  }
0xa2: {  	[sflag:s22] =	ssyncadd.s32 s6;
	_ =	sdelay $0x1  }
0xa3: {  	s23 =	simm.s32 $0x1B8B  }
0xa4: {  	_ =	swait.ge [sflag:s23], $0x1  }
0xa5: {  	[sflag:s23] =	ssyncset.done $0x0  }
0xa6: {  	s25 =	simm.s32 $0x1B8E;
	s24 =	sld [smem:$0x3FFE];
	[sflag:s23] =	ssyncadd.s32 $0xFFFFFFFF  }
0xa7: {  	s26 =	simm.s32 $execute0_lowered;
	[smem:$0x3FD2] =	sst s25  }
0xa8: {  	s7 =	sshll.u32 s26, $0x1;
	_ =	strace $0x80000046;
	[dreg:$0x1] =	wrdreg $0xFFFFFFFF  }
0xa9: {  	s28 =	simm.s32 $_size_execute0_lowered;
	s5 =	sadd.s32 s5, s7;
	[dreg:$0x0] =	wrdreg $0x0  }
0xaa: {  	s7 =	sshll.u32 s28, $0x1;
	[dreg:$0x2] =	wrdreg s5  }
0xab: {  	[dreg:$0x3] =	wrdreg s7  }
0xac: {  	[dreg:$0x4] =	wrdreg $0xC0  }
0xad: {  	_ =	task [dreg:s9], $0x5FFFF  }
0xae: {  	[dreg:$0x1] =	wrdreg $0xFFFFFFFF  }
0xaf: {  	[dreg:$0x0] =	wrdreg $0x60  }
0xb0: {  	[dreg:$0x2] =	wrdreg s2  }
0xb1: {  	[dreg:$0x3] =	wrdreg s18  }
0xb2: {  	[dreg:$0x4] =	wrdreg s24  }
0xb3: {  	[dreg:$0x5] =	wrdreg s4  }
0xb4: {  	[dreg:$0x6] =	wrdreg $0x9  }
0xb5: {  	_ =	task.clear_ibuf [dreg:s9], $0x7FFFF;
	_ =	strace $0x90000046  }
0xb6: {  	s29 =	simm.s32 $0x9;
	_ =	strace $0x80000048  }
0xb7: {  	_ =	swait.ge [sflag:s29], $0x1  }
0xb8: {  	[sflag:s29] =	ssyncadd.s32 $0xFFFFFFFF  }
0xb9: {  	_ =	strace $0x90000048  }
0xba: {  	_ =	sfence  }
0xbb: {  	s30 =	sld [smem:$0x0];
	_ =	sdelay $0x2  }
0xbc: {  	s31 =	sshll.u32 s1, $0xD;
	s1 =	sshrl.u32 s1, $0x2  }
0xbd: {  	s3 =	sand.u32 $0x4000, s31;
	s1 =	sadd.s32 s1, s30  }
0xbe: {  	s0 =	sor.u32 s3, s0;
	s1 =	sshll.u32 s1, $0x11  }
0xbf: {  	s0 =	sor.u32 s1, s0  }
0xc0: {  	s0 =	sadd.s32 $0x8F2B, s0  }
0xc1: {  	[sflag:s0] =	ssyncadd.remote.s32 $0x1  }
0xc2: {  	_ =	sfence.sel $0xFFFF  }
0xc3: {  	[dreg:$0x0] =	wrdreg $0xFFFFFFFF;
	(pc) =	sbr.abs _section_cstart, $3  }
0xc4: {  	[dreg:$0x1] =	wrdreg $0xFFFFFFFF  }
0xc5: {  	_ =	task.clear_ibuf [dreg:s9], $0x2FFFF;
	_ =	strace $0x9FFFFFFF  }
0xc6: {  	(tm) =	ssettm $0x7FFFFFFF  }
0xc7: {  	_ =	shalt  }
tec
execute0_lowered:
.L_overlay_start_1:
0x0: {  	(tag) =	ssettag $0x1  }
0x1: {  	s0 =	rddreg [dreg:$0x0]  }
0x2: {  	s1 =	rddreg [dreg:$0x1]  }
0x3: {  	s3 =	rddreg [dreg:$0x2];
	s2 =	srdreg.scid  }
0x4: {  	s7 =	stileid.u32;
	s4 =	rddreg [dreg:$0x3];
	s28 =	simm.s32 $0x400  }
0x5: {  	s29 =	simm.s32 $0x6;
	s30 =	simm.s32 $0x0;
	s5 =	sand.u32 $0x1, s2  }
0x6: {  	s6 =	sshll.u32 s7, $0x1;
	s2 =	simm.s32 $0x0;
	s7 =	sshrl.u32 s7, $0x2  }
0x7: {  	s10 =	sadd.s32 $0x1000, s3;
	s15 =	sadd.s32 $0xC00, s3;
	s6 =	sor.u32 s5, s6  }
0x8: {  	[smem:$0x7FF] =	sst s2;
	s9 =	sshll.u32 s7, $0x10;
	s5 =	ssub.s32 $0x2, s5  }
0x9: {  	s7 =	sshll.u32 s7, $0x12;
	_ =	strace $0x80000047;
	[dreg:$0x5] =	wrdreg s10  }
0xa: {  	s8 =	sshll.u32 s6, $0x7;
	[dreg:$0x6] =	wrdreg s15;
	s16 =	sshrl.u32 s5, $0x1  }
0xb: {  	s17 =	sshll.u32 s6, $0xE;
	s18 =	sshll.u32 s6, $0x8;
	s6 =	sshll.u32 s6, $0x5  }
0xc: {  	s8 =	sand.u32 $0x380, s8;
	s5 =	ssub.s32 s5, s16;
	s6 =	sadd.s32 s1, s6  }
0xd: {  	s19 =	sor.u32 $0x40, s18;
	s11 =	sor.u32 $0x80, s18;
	s22 =	sor.u32 $0xC0, s18  }
0xe: {  	s16 =	simm.s32 $0x10100;
	s9 =	sor.u32 s9, s8;
	[dreg:$0x8] =	wrdreg s6  }
0xf: {  	s20 =	sshll.u32 s19, $0x6;
	s6 =	sshrl.u32 s19, $0x3;
	s12 =	sshll.u32 s11, $0x6  }
0x10: {  	s21 =	sshrl.u32 s11, $0x3;
	s23 =	sshll.u32 s22, $0x6;
	s7 =	sor.u32 s7, s8  }
0x11: {  	s24 =	sshrl.u32 s22, $0x3;
	s15 =	smax.u32 s5, $0x1;
	s22 =	simm.s32 $0x1  }
0x12: {  	s9 =	sshrl.u32 s9, $0x3;
	s6 =	sadd.s32 s1, s6;
	s10 =	sadd.s32 s1, s21  }
0x13: {  	v0 =	vimm.s32 $0x0;
	s11 =	sadd.s32 s0, s23;
	s25 =	sshrl.u32 s7, $0x3;
	s21 =	simm.s32 $0x5  }
0x14: {  	v1 =	vimm.s32 $0xF;
	v2 =	vlaneseq.u32;
	v3 =	vimm.f32 $1.000000000e+00;
	s23 =	simm.s32 $0x3;
	s3 =	sadd.s32 s9, s3;
	s9 =	sadd.s32 s0, s17  }
.Ltmp0:
0x15: {  	v4 =	vimm.f32 $0.0e+00;
	v5 =	vimm.s32 $0x1;
	v6 =	vimm.s32 $0x2;
	[dreg:$0xa] =	wrdreg s6;
	s26 =	sadd.s32 s4, s25;
	(pc) =	sbr.rel .LBB2_1-.Ltmp0, $4  }
0x16: {  	v7 =	vimm.s32 $0x3;
	v8 =	vimm.s32 $0x4;
	v9 =	vimm.s32 $0x5;
	s17 =	simm.s32 $0x18100;
	s25 =	simm.s32 $0x4;
	[dreg:$0x7] =	wrdreg s9  }
0x17: {  	v10 =	vimm.s32 $0x6;
	v11 =	vimm.s32 $0x7;
	v12 =	vimm.s32 $0x8;
	s9 =	sadd.s32 s0, s20;
	[dreg:$0xb] =	wrdreg s26;
	s31 =	sadd.s32 $0x2000, s3  }
0x18: {  	v13 =	vimm.s32 $0x9;
	v14 =	vimm.s32 $0xA;
	v15 =	vimm.s32 $0xB;
	s26 =	simm.s32 $0x80;
	[dreg:$0x9] =	wrdreg s9;
	s9 =	sadd.s32 s0, s12  }
0x19: {  	v16 =	vimm.s32 $0xC;
	v17 =	vimm.s32 $0xD;
	v18 =	vimm.s32 $0xE;
	s12 =	sadd.s32 s1, s24;
	[dreg:$0xc] =	wrdreg s31;
	s24 =	simm.s32 $0x2  }
.LBB2_23:
0x1a: {  	s0 =	rddreg [dreg:$0xb]  }
0x1b: {  	[hbm4b:s0+s26] =	stream.strided.scatter [tilespmem:s16], [sflag:$0x6], $0x8000, s28, s26, $0x38;
	[tilespmem:$0x1A100] =	vst v63  }
0x1c: {  	s30 =	sadd.s32 $0x1, s30;
	_ =	swait.ge [sflag:s29], $0x8000  }
0x1d: {  	p0 =	sne.s32 s30, s15;
	[sflag:s29] =	ssyncset.done $0x0  }
.Ltmp1:
0x1e: {  	s31 =	rddreg [dreg:$0xc];
	[sflag:s29] =	ssyncadd.s32 $0xFFFF8000;
	(pc) =	sbr.rel @!p0 .LBB2_24-.Ltmp1, $4  }
0x1f: {  	[hbm4b:s31+s26] =	stream.strided.scatter [tilespmem:s17], [sflag:$0x6], $0x2000, s28, s26, $0x38;
	[tilespmem:$0x1A100] =	vst v63  }
0x20: {  	_ =	swait.ge [sflag:s29], $0x2000  }
0x21: {  	[sflag:s29] =	ssyncset.done $0x0  }
0x22: {  	[sflag:s29] =	ssyncadd.s32 $0xFFFFE000  }
.LBB2_1:
0x23: {  	s0 =	rddreg [dreg:$0x5]  }
0x24: {  	[tilespmem:s16], [sflag:$0x5] =	stream.linear.gather [hbm4b:s0+s2], $0x8000, $0x38;
	[tilespmem:$0x1A100] =	vst v63  }
0x25: {  	s8 =	rddreg [dreg:$0x6]  }
0x26: {  	[tilespmem:s17], [sflag:$0x5] =	stream.linear.gather [hbm4b:s8+s2], $0x2000, $0x38;
	[tilespmem:$0x1A100] =	vst v63  }
0x27: {  	s13 =	rddreg [dreg:$0x7]  }
0x28: {  	[tilespmem:s2], [sflag:$0x1] =	stream.linear.gather [hbm4b:s13+s2], $0x8000, $0x38;
	[tilespmem:$0x1A100] =	vst v63  }
0x29: {  	s14 =	rddreg [dreg:$0x8];
	s1 =	simm.s32 $0x10000  }
0x2a: {  	[tilespmem:s1], [sflag:$0x3] =	stream.linear.gather [hbm4b:s14+s2], $0x40, $0x38;
	[tilespmem:$0x1A100] =	vst v63  }
0x2b: {  	s18 =	rddreg [dreg:$0x9];
	s19 =	simm.s32 $0x8000  }
0x2c: {  	[tilespmem:s19], [sflag:$0x2] =	stream.linear.gather [hbm4b:s18+s2], $0x8000, $0x38;
	[tilespmem:$0x1A100] =	vst v63  }
0x2d: {  	s20 =	rddreg [dreg:$0xa];
	s31 =	simm.s32 $0x10080  }
0x2e: {  	[tilespmem:s31], [sflag:$0x4] =	stream.linear.gather [hbm4b:s20+s2], $0x40, $0x38;
	[tilespmem:$0x1A100] =	vst v63  }
0x2f: {  	_ =	swait.ge [sflag:s21], $0x8000  }
.Ltmp2:
0x30: {  	[sflag:s21] =	ssyncset.done $0x0;
	(pc) =	sbr.rel .LBB2_2-.Ltmp2, $4  }
0x31: {  	[sflag:s21] =	ssyncadd.s32 $0xFFFF8000  }
0x32: {  	_ =	swait.ge [sflag:s21], $0x2000  }
0x33: {  	[sflag:s21] =	ssyncset.done $0x0  }
0x34: {  	p1 =	por $0x1, $0x1;
	p0 =	por $0x0, $0x0;
	[sflag:s21] =	ssyncadd.s32 $0xFFFFE000  }
.LBB2_22:
0x35: {  	p4 =	por p0, !p1  }
.Ltmp3:
0x36: {  	s0 =	simm.s32 @!p0 $0x0;
	s1 =	simm.s32 @!p0 $0x8000;
	(pc) =	sbr.rel @p4 .LBB2_23-.Ltmp3, $4  }
0x37: {  	[tilespmem:s1], [sflag:$0x2] =	stream.linear.gather @!p0 [hbm4b:s11+s0], $0x8000, $0x38;
	[tilespmem:$0x1A100] =	vst v63  }
0x38: {  	p2 =	por @!p0 $0x0, $0x0;
	p3 =	por @!p0 $0x1, $0x1;
	s1 =	simm.s32 @!p0 $0x10080  }
0x39: {  	[tilespmem:s1], [sflag:$0x4] =	stream.linear.gather @!p0 [hbm4b:s12+s0], $0x40, $0x38;
	[tilespmem:$0x1A100] =	vst v63  }
0x3a: {  	p1 =	por p2, p2;
	p0 =	por p3, p3  }
.LBB2_2:
0x3b: {  	_ =	swait.ge [sflag:s22], $0x8000  }
.Ltmp4:
0x3c: {  	[sflag:s22] =	ssyncset.done $0x0;
	(pc) =	sbr.rel .LBB2_3-.Ltmp4, $4  }
0x3d: {  	[sflag:s22] =	ssyncadd.s32 $0xFFFF8000  }
0x3e: {  	_ =	swait.ge [sflag:s23], $0x40  }
0x3f: {  	[sflag:s23] =	ssyncset.done $0x0  }
0x40: {  	s31 =	simm.s32 $0x0;
	[sflag:s23] =	ssyncadd.s32 $0xFFFFFFC0  }
.LBB2_11:
0x41: {  	s31 =	sadd.s32 $0x1, s31  }
0x42: {  	p2 =	sne.s32 s31, $0x4  }
.Ltmp5:
0x43: {  	_ = 	snop;
	(pc) =	sbr.rel @!p2 .LBB2_12-.Ltmp5, $1  }
0x44: {  	_ =	sdelay $0x3  }
.LBB2_3:
0x45: {  	s0 =	sshll.u32 s31, $0x4  }
0x46: {  	v19 =	vld [tilespmem:s0+$0x10000];
	_ =	sdelay $0x4  }
0x47: {  	v20 =	vperm.xlane v19, v0;
	_ =	sdelay $0x1  }
0x48: {  	vm0 =	veq.s32 v19, v20  }
0x49: {  	v21 =	vsel vm0, $0x3F800000, v4  }
0x4a: {  	(xrf0) =	vmin.scan.msk.f32 $0xffff, v21;
	_ =	sdelay $0x5  }
0x4b: {  	v21, _, _ =	vpop (xrf0)  }
0x4c: {  	(v2sf) =	vpush v21, $0xF;
	_ =	sdelay $0xe  }
0x4d: {  	v21 =	vshll.u32 v19, $0x7;
	s1 =	spop (v2sf)  }
0x4e: {  	v21 =	vor.u32 v2, v21;
	p2 =	sgt.f32 s1, $0.0e+00  }
.Ltmp6:
0x4f: {  	_ = 	snop;
	(pc) =	sbr.rel @p2 .LBB2_11-.Ltmp6, $2  }
0x50: {  	_ =	sdelay $0x2  }
0x51: {  	[tilespmem:v21+s17+$0x0] =	vst.idx.add.f32.msk $0xffff, v3  }
0x52: {  	v21 =	vperm.xlane v19, v1;
	_ =	sdelay $0x1  }
0x53: {  	vm1 =	veq.s32 v19, v21  }
0x54: {  	vm0 =	vmor vm0, vm1  }
0x55: {  	v22 =	vsel vm0, $0x3F800000, v4  }
0x56: {  	(xrf0) =	vmin.scan.msk.f32 $0xffff, v22;
	_ =	sdelay $0x5  }
0x57: {  	v22, _, _ =	vpop (xrf0)  }
0x58: {  	(v2sf) =	vpush v22, $0xF;
	_ =	sdelay $0xe  }
0x59: {  	s1 =	spop (v2sf)  }
0x5a: {  	p2 =	sgt.f32 s1, $0.0e+00  }
.Ltmp7:
0x5b: {  	_ = 	snop;
	(pc) =	sbr.rel @!p2 .LBB2_8-.Ltmp7, $2  }
0x5c: {  	_ =	sdelay $0x2  }
0x5d: {  	s3 =	simm.s32 $0x0;
	s1 =	simm.s32 $0x0  }
0x5e: {  	v22 =	vxor.u32 $0x80000000, v19;
	s0 =	sshll.u32 s31, $0xF  }
0x5f: {  	(xrf0) =	vmin.scan.msk.u32 $0xffff, v22;
	s1 =	sshra.s32 s0, $0x2;
	s0 =	simm.s32 $0x0  }
0x60: {  	s18 =	sor.u32 $0x1000, s1;
	s5 =	sand.u32 $0xC00, s0  }
0x61: {  	s4 =	sand.u32 $0x60, s0;
	s3 =	sadd.s32 s5, s18  }
0x62: {  	s8 =	sadd.s32 s5, s1;
	s7 =	sadd.s32 s4, s3  }
0x63: {  	v23 =	vperm.xlane v19, v5;
	v24 =	vperm.xlane v19, v6;
	(xrf0) =	vmax.scan.msk.u32 $0xffff, v22;
	s6 =	sadd.s32 s4, s8;
	v22 =	vld [tilespmem:s7+$0x180]  }
0x64: {  	v25 =	vperm.xlane v19, v7;
	v28 =	vperm.xlane v19, v8;
	v26 =	vld [tilespmem:s6+$0x380]  }
0x65: {  	v29 =	vperm.xlane v19, v9;
	v31 =	vperm.xlane v19, v10;
	v30 =	vld [tilespmem:s6+$0x0];
	v27, _, _ =	vpop (xrf0)  }
0x66: {  	v32 =	vperm.xlane v19, v11;
	v33 =	vperm.xlane v19, v12;
	v35 =	vld [tilespmem:s6+$0x100];
	(v2sf) =	vpush v27, $0xF  }
0x67: {  	v34 =	vperm.xlane v19, v13;
	v36 =	vperm.xlane v19, v14;
	v38 =	vld [tilespmem:s6+$0x180]  }
0x68: {  	v37 =	vperm.xlane v19, v16;
	v40 =	vperm.xlane v19, v18;
	v42 =	vld [tilespmem:s7+$0x100]  }
0x69: {  	v39 =	vperm.xlane v19, v17;
	v19 =	vperm.xlane v19, v15;
	vm0 =	veq.s32 v21, v20;
	v21 =	vld [tilespmem:s6+$0x300]  }
0x6a: {  	vm9 =	veq.s32 v40, v20;
	v51 =	vld [tilespmem:s7+$0x200]  }
0x6b: {  	vm10 =	veq.s32 v39, v20;
	vm11 =	veq.s32 v37, v20;
	vm8 =	veq.s32 v19, v20;
	v19 =	vld [tilespmem:s7+$0x0]  }
0x6c: {  	vm4 =	veq.s32 v36, v20;
	vm5 =	veq.s32 v34, v20;
	vm1 =	veq.s32 v28, v20;
	v28 =	vld [tilespmem:s7+$0x280]  }
0x6d: {  	vm6 =	veq.s32 v33, v20;
	vm3 =	veq.s32 v32, v20;
	vm12 =	veq.s32 v23, v20;
	v23 =	vld [tilespmem:s6+$0x80];
	v41, _, _ =	vpop (xrf0)  }
0x6e: {  	vm7 =	veq.s32 v31, v20;
	vm2 =	veq.s32 v25, v20;
	v25 =	vld [tilespmem:s6+$0x200];
	(v2sf) =	vpush v41, $0xF  }
0x6f: {  	vm14 =	veq.s32 v24, v20;
	vm13 =	veq.s32 v29, v20;
	v53 =	vld [tilespmem:s7+$0x80];
	v52 =	vadd.f32 v22, v42  }
0x70: {  	v57 =	vld [tilespmem:s6+$0x280];
	v24 =	vadd.f32 v26, v21;
	v21 =	vnsel vm7, $0x0, v21;
	v54 =	vnsel vm14, $0x0, v35  }
0x71: {  	v59 =	vld [tilespmem:s7+$0x300];
	v55 =	vnsel vm4, $0x0, v42;
	v56 =	vnsel vm11, $0x0, v51;
	v35 =	vadd.f32 v38, v35  }
0x72: {  	v27 =	vld [tilespmem:s7+$0x380];
	v58 =	vnsel vm6, $0x0, v19;
	v22 =	vnsel vm8, $0x0, v22;
	v38 =	vnsel vm2, $0x0, v38  }
0x73: {  	v60 =	vnsel vm10, $0x0, v28;
	v44 =	vadd.f32 v23, v30;
	v23 =	vnsel vm12, $0x0, v23  }
0x74: {  	v61 =	vnsel vm1, $0x0, v25;
	v26 =	vnsel vm3, $0x0, v26;
	v62 =	vnsel vm5, $0x0, v53  }
0x75: {  	v29 =	vnsel vm13, $0x0, v57;
	v33 =	vadd.f32 v38, v54;
	v22 =	vadd.f32 v22, v55;
	s13 =	spop (v2sf)  }
0x76: {  	v63 =	vnsel vm9, $0x0, v59;
	v20 =	vadd.f32 v60, v56;
	v23 =	vadd.f32 v23, v30;
	s5 =	sshll.u32 s13, $0xB  }
0x77: {  	v29 =	vadd.f32 v29, v61;
	v21 =	vadd.f32 v26, v21;
	v43 =	vnsel vm0, $0x0, v27;
	s5 =	sshra.s32 s5, $0x2  }
0x78: {  	s14 =	sand.u32 $0x180, s0;
	v26 =	vadd.f32 v62, v58;
	v30 =	vadd.f32 v43, v63;
	s19 =	sadd.s32 $0x10100, s5  }
0x79: {  	v23 =	vadd.f32 v33, v23;
	v21 =	vadd.f32 v21, v29;
	s5 =	sadd.s32 s14, s19  }
0x7a: {  	v22 =	vadd.f32 v22, v26;
	v20 =	vadd.f32 v30, v20;
	s7 =	sadd.s32 s4, s5  }
0x7b: {  	v19 =	vadd.f32 v53, v19;
	v26 =	vadd.f32 v27, v59;
	v27 =	vld [tilespmem:s7+$0x0]  }
0x7c: {  	v21 =	vadd.f32 v21, v23;
	v20 =	vadd.f32 v20, v22  }
0x7d: {  	v25 =	vadd.f32 v57, v25;
	v23 =	vadd.f32 v28, v51;
	s13 =	spop (v2sf)  }
0x7e: {  	v19 =	vadd.f32 v52, v19;
	v20 =	vadd.f32 v20, v21;
	s13 =	sshll.u32 s13, $0xB  }
0x7f: {  	v23 =	vadd.f32 v26, v23;
	v22 =	vadd.f32 v35, v44;
	s13 =	sshra.s32 s13, $0x2  }
0x80: {  	v21 =	vadd.f32 v24, v25;
	s20 =	sadd.s32 $0x10100, s13;
	v24 =	vadd.f32 v20, v27  }
0x81: {  	s6 =	sadd.s32 s14, s20  }
0x82: {  	v19 =	vadd.f32 v23, v19;
	v21 =	vadd.f32 v21, v22;
	s14 =	sadd.s32 s4, s6;
	[tilespmem:s7+$0x0] =	vst v24  }
0x83: {  	v22 =	vld [tilespmem:s14+$0x0]  }
0x84: {  	v19 =	vadd.f32 v19, v21;
	_ =	sdelay $0x1  }
0x85: {  	v19 =	vsub.f32 v19, v20;
	_ =	sdelay $0x1  }
0x86: {  	v19 =	vadd.f32 v19, v22  }
0x87: {  	s7 =	sor.u32 $0x10, s4  }
0x88: {  	s13 =	sadd.s32 s7, s8;
	[tilespmem:s14+$0x0] =	vst v19  }
0x89: {  	v20 =	vld [tilespmem:s13+$0x80]  }
0x8a: {  	v19 =	vld [tilespmem:s13+$0x100]  }
0x8b: {  	s8 =	sadd.s32 s7, s3;
	v21 =	vld [tilespmem:s13+$0x0]  }
0x8c: {  	v23 =	vld [tilespmem:s8+$0x380]  }
0x8d: {  	v26 =	vld [tilespmem:s8+$0x300]  }
0x8e: {  	v25 =	vld [tilespmem:s8+$0x280]  }
0x8f: {  	s4 =	simm.s32 $0x0;
	s3 =	simm.s32 $0x0;
	v27 =	vld [tilespmem:s8+$0x200];
	v24 =	vnsel vm12, $0x0, v20;
	v22 =	vnsel vm14, $0x0, v19  }
.LBB2_6:
0x90: {  	s3 =	sadd.s32 $0x2, s3;
	v28 =	vld [tilespmem:s8+$0x180];
	s0 =	sadd.s32 $0x100, s0;
	s4 =	sadd.s32 $0x20, s4  }
0x91: {  	p2 =	slt.u32 s3, $0x1E;
	v29 =	vld [tilespmem:s8+$0x100]  }
0x92: {  	v30 =	vld [tilespmem:s8+$0x80];
	v31 =	vadd.f32 v23, v26;
	v26 =	vnsel vm9, $0x0, v26  }
0x93: {  	v32 =	vld [tilespmem:s8+$0x0];
	v33 =	vnsel vm10, $0x0, v25  }
0x94: {  	v34 =	vld [tilespmem:s13+$0x380];
	v25 =	vadd.f32 v25, v27;
	v27 =	vnsel vm11, $0x0, v27  }
0x95: {  	v35 =	vld [tilespmem:s13+$0x300];
	v36 =	vnsel vm8, $0x0, v28;
	v27 =	vadd.f32 v33, v27  }
0x96: {  	v33 =	vld [tilespmem:s13+$0x280];
	v28 =	vadd.f32 v28, v29;
	v25 =	vadd.f32 v31, v25;
	v29 =	vnsel vm4, $0x0, v29  }
0x97: {  	v24 =	vadd.f32 v24, v21;
	v31 =	vld [tilespmem:s13+$0x200];
	v37 =	vnsel vm5, $0x0, v30;
	v29 =	vadd.f32 v36, v29  }
0x98: {  	v23 =	vnsel vm0, $0x0, v23;
	v36 =	vld [tilespmem:s13+$0x180];
	v30 =	vadd.f32 v30, v32;
	v32 =	vnsel vm6, $0x0, v32  }
0x99: {  	v20 =	vadd.f32 v20, v21;
	v21 =	vnsel vm3, $0x0, v34;
	v32 =	vadd.f32 v37, v32  }
0x9a: {  	v34 =	vadd.f32 v34, v35;
	v28 =	vadd.f32 v28, v30;
	v30 =	vnsel vm7, $0x0, v35  }
0x9b: {  	v35 =	vnsel vm13, $0x0, v33;
	v21 =	vadd.f32 v21, v30;
	v29 =	vadd.f32 v29, v32  }
0x9c: {  	v23 =	vadd.f32 v23, v26;
	v30 =	vadd.f32 v33, v31;
	v31 =	vnsel vm1, $0x0, v31  }
0x9d: {  	v19 =	vadd.f32 v36, v19;
	v26 =	vnsel vm2, $0x0, v36;
	v31 =	vadd.f32 v35, v31  }
0x9e: {  	v30 =	vadd.f32 v34, v30;
	v22 =	vadd.f32 v26, v22  }
0x9f: {  	v19 =	vadd.f32 v19, v20;
	v20 =	vadd.f32 v23, v27  }
0xa0: {  	s5 =	sadd.s32 s7, s5;
	v21 =	vadd.f32 v21, v31;
	v22 =	vadd.f32 v22, v24  }
0xa1: {  	v23 =	vadd.f32 v25, v28;
	v19 =	vadd.f32 v30, v19;
	v24 =	vld [tilespmem:s5+$0x0]  }
0xa2: {  	v20 =	vadd.f32 v20, v29;
	v21 =	vadd.f32 v21, v22;
	_ =	sdelay $0x1  }
0xa3: {  	v20 =	vadd.f32 v20, v21;
	_ =	sdelay $0x1  }
0xa4: {  	v21 =	vadd.f32 v20, v24;
	_ =	sdelay $0x1  }
0xa5: {  	[tilespmem:s5+$0x0] =	vst v21;
	s5 =	sadd.s32 s7, s6  }
0xa6: {  	v21 =	vld [tilespmem:s5+$0x0]  }
0xa7: {  	v19 =	vadd.f32 v23, v19;
	_ =	sdelay $0x1  }
0xa8: {  	v19 =	vsub.f32 v19, v20;
	_ =	sdelay $0x1  }
0xa9: {  	s6 =	sand.u32 $0xC00, s0;
	v19 =	vadd.f32 v19, v21  }
0xaa: {  	s7 =	sand.u32 $0x60, s4;
	s13 =	sadd.s32 s6, s1;
	s8 =	sadd.s32 s6, s18  }
0xab: {  	s6 =	sadd.s32 s7, s13;
	s14 =	sadd.s32 s7, s8;
	[tilespmem:s5+$0x0] =	vst v19  }
0xac: {  	v19 =	vld [tilespmem:s14+$0x180]  }
0xad: {  	v20 =	vld [tilespmem:s6+$0x380]  }
0xae: {  	v21 =	vld [tilespmem:s6+$0x0]  }
0xaf: {  	v22 =	vld [tilespmem:s14+$0x380]  }
0xb0: {  	v23 =	vld [tilespmem:s6+$0x100]  }
0xb1: {  	v24 =	vld [tilespmem:s6+$0x200]  }
0xb2: {  	v25 =	vld [tilespmem:s6+$0x180]  }
0xb3: {  	v26 =	vld [tilespmem:s14+$0x100]  }
0xb4: {  	v27 =	vld [tilespmem:s6+$0x300]  }
0xb5: {  	v28 =	vld [tilespmem:s14+$0x200]  }
0xb6: {  	v29 =	vld [tilespmem:s14+$0x0]  }
0xb7: {  	v30 =	vld [tilespmem:s14+$0x280]  }
0xb8: {  	v31 =	vld [tilespmem:s6+$0x80];
	v32 =	vadd.f32 v19, v26  }
0xb9: {  	v33 =	vld [tilespmem:s14+$0x80];
	v34 =	vadd.f32 v20, v27;
	v27 =	vnsel vm7, $0x0, v27  }
0xba: {  	v36 =	vnsel vm14, $0x0, v23;
	v26 =	vnsel vm4, $0x0, v26;
	v35 =	vld [tilespmem:s14+$0x300];
	v37 =	vnsel vm11, $0x0, v28  }
0xbb: {  	v23 =	vadd.f32 v25, v23;
	v19 =	vnsel vm8, $0x0, v19;
	v38 =	vld [tilespmem:s6+$0x280];
	v39 =	vnsel vm6, $0x0, v29  }
0xbc: {  	v41 =	vnsel vm0, $0x0, v22;
	v25 =	vnsel vm2, $0x0, v25;
	v40 =	vnsel vm10, $0x0, v30  }
0xbd: {  	v25 =	vadd.f32 v25, v36;
	v42 =	vadd.f32 v31, v21;
	v31 =	vnsel vm12, $0x0, v31  }
0xbe: {  	v36 =	vnsel vm1, $0x0, v24;
	v20 =	vnsel vm3, $0x0, v20;
	v19 =	vadd.f32 v19, v26  }
0xbf: {  	v37 =	vadd.f32 v40, v37;
	v26 =	vnsel vm5, $0x0, v33;
	v43 =	vnsel vm9, $0x0, v35  }
0xc0: {  	v21 =	vadd.f32 v31, v21;
	v24 =	vadd.f32 v38, v24  }
0xc1: {  	v22 =	vadd.f32 v22, v35;
	v26 =	vadd.f32 v26, v39;
	v31 =	vnsel vm13, $0x0, v38  }
0xc2: {  	v20 =	vadd.f32 v20, v27;
	v31 =	vadd.f32 v31, v36  }
0xc3: {  	s6 =	sand.u32 $0x180, s4;
	v27 =	vadd.f32 v41, v43;
	v21 =	vadd.f32 v25, v21  }
0xc4: {  	s5 =	sadd.s32 s6, s19;
	v25 =	vadd.f32 v33, v29;
	v20 =	vadd.f32 v20, v31  }
0xc5: {  	s14 =	sadd.s32 s7, s5;
	v19 =	vadd.f32 v19, v26;
	v26 =	vadd.f32 v27, v37  }
0xc6: {  	v23 =	vadd.f32 v23, v42;
	v24 =	vadd.f32 v34, v24;
	v27 =	vld [tilespmem:s14+$0x0]  }
0xc7: {  	v19 =	vadd.f32 v26, v19;
	v20 =	vadd.f32 v20, v21  }
0xc8: {  	v23 =	vadd.f32 v24, v23;
	v21 =	vadd.f32 v30, v28  }
0xc9: {  	v19 =	vadd.f32 v19, v20  }
0xca: {  	v20 =	vadd.f32 v32, v25;
	v21 =	vadd.f32 v22, v21  }
0xcb: {  	v22 =	vadd.f32 v19, v27  }
0xcc: {  	s6 =	sadd.s32 s6, s20;
	v20 =	vadd.f32 v21, v20  }
0xcd: {  	[tilespmem:s14+$0x0] =	vst v22;
	s14 =	sadd.s32 s7, s6  }
0xce: {  	v20 =	vadd.f32 v20, v23;
	v21 =	vld [tilespmem:s14+$0x0];
	_ =	sdelay $0x1  }
0xcf: {  	v19 =	vsub.f32 v20, v19;
	_ =	sdelay $0x2  }
0xd0: {  	v19 =	vadd.f32 v19, v21  }
0xd1: {  	s7 =	sor.u32 $0x10, s7  }
0xd2: {  	s13 =	sadd.s32 s7, s13;
	[tilespmem:s14+$0x0] =	vst v19  }
0xd3: {  	v20 =	vld [tilespmem:s13+$0x80]  }
0xd4: {  	v19 =	vld [tilespmem:s13+$0x100]  }
.Ltmp8:
0xd5: {  	s8 =	sadd.s32 s7, s8;
	v21 =	vld [tilespmem:s13+$0x0];
	(pc) =	sbr.rel @p2 .LBB2_6-.Ltmp8, $4  }
0xd6: {  	v23 =	vld [tilespmem:s8+$0x380]  }
0xd7: {  	v26 =	vld [tilespmem:s8+$0x300]  }
0xd8: {  	v25 =	vld [tilespmem:s8+$0x280];
	v24 =	vnsel vm12, $0x0, v20  }
0xd9: {  	v27 =	vld [tilespmem:s8+$0x200];
	v22 =	vnsel vm14, $0x0, v19  }
0xda: {  	v28 =	vld [tilespmem:s8+$0x180]  }
0xdb: {  	v29 =	vld [tilespmem:s8+$0x100]  }
0xdc: {  	v30 =	vld [tilespmem:s8+$0x80]  }
0xdd: {  	v31 =	vld [tilespmem:s8+$0x0]  }
0xde: {  	v32 =	vld [tilespmem:s13+$0x380]  }
0xdf: {  	v33 =	vld [tilespmem:s13+$0x300]  }
0xe0: {  	v36 =	vld [tilespmem:s13+$0x280];
	v24 =	vadd.f32 v24, v21;
	v20 =	vadd.f32 v20, v21  }
0xe1: {  	v37 =	vld [tilespmem:s13+$0x200];
	v52 =	vnsel vm0, $0x0, v23;
	v34 =	vadd.f32 v23, v26;
	v46 =	vnsel vm9, $0x0, v26  }
0xe2: {  	v50 =	vld [tilespmem:s13+$0x180];
	v47 =	vnsel vm10, $0x0, v25;
	v23 =	vadd.f32 v52, v46;
	v48 =	vnsel vm11, $0x0, v27  }
0xe3: {  	v35 =	vadd.f32 v25, v27;
	v25 =	vadd.f32 v47, v48;
	v49 =	vnsel vm8, $0x0, v28  }
0xe4: {  	v28 =	vadd.f32 v28, v29;
	v29 =	vnsel vm4, $0x0, v29;
	v38 =	vnsel vm5, $0x0, v30  }
0xe5: {  	v51 =	vnsel vm6, $0x0, v31;
	v39 =	vnsel vm3, $0x0, v32;
	v53 =	vnsel vm7, $0x0, v33  }
0xe6: {  	v40 =	vnsel vm13, $0x0, v36;
	v54 =	vnsel vm1, $0x0, v37;
	v27 =	vadd.f32 v49, v29  }
0xe7: {  	v56 =	vnsel vm2, $0x0, v50;
	v29 =	vadd.f32 v38, v51;
	v38 =	vadd.f32 v39, v53  }
0xe8: {  	v55 =	vadd.f32 v40, v54;
	v22 =	vadd.f32 v56, v22  }
0xe9: {  	v23 =	vadd.f32 v23, v25;
	v27 =	vadd.f32 v27, v29  }
0xea: {  	s0 =	sadd.s32 s7, s5;
	v22 =	vadd.f32 v22, v24;
	v57 =	vadd.f32 v38, v55  }
0xeb: {  	v59 =	vld [tilespmem:s0+$0x0];
	v58 =	vadd.f32 v30, v31;
	v60 =	vadd.f32 v32, v33  }
0xec: {  	v22 =	vadd.f32 v57, v22;
	v23 =	vadd.f32 v23, v27  }
0xed: {  	v61 =	vadd.f32 v36, v37;
	v19 =	vadd.f32 v50, v19  }
0xee: {  	v34 =	vadd.f32 v34, v35;
	v22 =	vadd.f32 v23, v22  }
0xef: {  	v62 =	vadd.f32 v28, v58;
	v19 =	vadd.f32 v19, v20  }
0xf0: {  	v24 =	vadd.f32 v60, v61;
	v20 =	vadd.f32 v22, v59;
	_ =	sdelay $0x1  }
0xf1: {  	s20 =	sadd.s32 s7, s6;
	v63 =	vadd.f32 v34, v62;
	v19 =	vadd.f32 v24, v19;
	[tilespmem:s0+$0x0] =	vst v20  }
0xf2: {  	v20 =	vld [tilespmem:s20+$0x0]  }
0xf3: {  	v19 =	vadd.f32 v63, v19;
	_ =	sdelay $0x1  }
.Ltmp9:
0xf4: {  	v19 =	vsub.f32 v19, v22;
	(pc) =	sbr.rel .LBB2_11-.Ltmp9, $3  }
0xf5: {  	_ = 	snop  }
0xf6: {  	v19 =	vadd.f32 v19, v20;
	_ =	sdelay $0x1  }
0xf7: {  	[tilespmem:s20+$0x0] =	vst v19  }
.LBB2_8:
0xf8: {  	s4 =	sshll.u32 s3, $0x7  }
0xf9: {  	s4 =	sand.u32 $0x380, s4  }
0xfa: {  	v21 =	vmov s3;
	s5 =	sadd.s32 s0, s3;
	v20 =	vmov s4  }
0xfb: {  	v21 =	vperm.xlane v19, v21;
	s19 =	sshll.u32 s5, $0x9  }
0xfc: {  	s20 =	simm.s32 $0x0;
	s6 =	sand.u32 $0xC00, s1;
	s4 =	sand.u32 $0x7000, s19  }
0xfd: {  	s7 =	sand.u32 $0x40, s20;
	v21 =	vshll.u32 v21, $0x9;
	s6 =	sadd.s32 s6, s4  }
0xfe: {  	v21 =	vor.u32 v2, v21;
	s7 =	sadd.s32 s7, s6  }
0xff: {  	v23 =	vor.u32 s20, v21;
	v22 =	vld.idx.msk [tilespmem:v20+s7+$0x0 ss:$0x1], $0xffff;
	_ =	sdelay $0x2  }
0x100: {  	s8 =	simm.s32 $0x10  }
0x101: {  	s13 =	sand.u32 $0x50, s8  }
0x102: {  	s7 =	sadd.s32 s13, s6;
	[tilespmem:v23+s16+$0x0] =	vst.idx.add.f32.msk $0xffff, v22  }
0x103: {  	v23 =	vor.u32 s8, v21;
	v22 =	vld.idx.msk [tilespmem:v20+s7+$0x0 ss:$0x1], $0xffff;
	_ =	sdelay $0x2  }
0x104: {  	s14 =	simm.s32 $0x20  }
0x105: {  	s18 =	sand.u32 $0x60, s14  }
0x106: {  	s7 =	sadd.s32 s18, s6;
	[tilespmem:v23+s16+$0x0] =	vst.idx.add.f32.msk $0xffff, v22  }
0x107: {  	v23 =	vor.u32 s14, v21;
	v22 =	vld.idx.msk [tilespmem:v20+s7+$0x0 ss:$0x1], $0xffff;
	_ =	sdelay $0x2  }
0x108: {  	s19 =	simm.s32 $0x30  }
0x109: {  	s20 =	sand.u32 $0x70, s19  }
0x10a: {  	s6 =	sadd.s32 s20, s6;
	[tilespmem:v23+s16+$0x0] =	vst.idx.add.f32.msk $0xffff, v22  }
0x10b: {  	v23 =	vor.u32 s19, v21;
	v22 =	vld.idx.msk [tilespmem:v20+s6+$0x0 ss:$0x1], $0xffff;
	_ =	sdelay $0x1  }
0x10c: {  	s5 =	simm.s32 $0x0;
	s7 =	simm.s32 $0x70;
	s6 =	simm.s32 $0x200  }
.LBB2_9:
0x10d: {  	s8 =	sadd.s32 $0xFFFFFFD0, s7;
	s13 =	sand.u32 $0xC00, s6;
	s5 =	sadd.s32 $0x4, s5  }
0x10e: {  	s14 =	sand.u32 $0x40, s8;
	s13 =	sadd.s32 s13, s4;
	p2 =	slt.u32 s5, $0x1C  }
0x10f: {  	s14 =	sadd.s32 s14, s13;
	[tilespmem:v23+s16+$0x0] =	vst.idx.add.f32.msk $0xffff, v22  }
0x110: {  	v22 =	vld.idx.msk [tilespmem:v20+s14+$0x0 ss:$0x1], $0xffff  }
0x111: {  	v23 =	vor.u32 s8, v21;
	_ =	sdelay $0x2  }
0x112: {  	s8 =	sadd.s32 $0xFFFFFFE0, s7  }
0x113: {  	s14 =	sand.u32 $0x50, s8  }
0x114: {  	s14 =	sadd.s32 s14, s13;
	[tilespmem:v23+s16+$0x0] =	vst.idx.add.f32.msk $0xffff, v22  }
0x115: {  	v22 =	vld.idx.msk [tilespmem:v20+s14+$0x0 ss:$0x1], $0xffff  }
0x116: {  	v23 =	vor.u32 s8, v21;
	_ =	sdelay $0x2  }
0x117: {  	s8 =	sadd.s32 $0xFFFFFFF0, s7  }
0x118: {  	s14 =	sand.u32 $0x60, s8  }
0x119: {  	s14 =	sadd.s32 s14, s13;
	[tilespmem:v23+s16+$0x0] =	vst.idx.add.f32.msk $0xffff, v22  }
0x11a: {  	v22 =	vld.idx.msk [tilespmem:v20+s14+$0x0 ss:$0x1], $0xffff  }
0x11b: {  	v23 =	vor.u32 s8, v21;
	_ =	sdelay $0x3  }
0x11c: {  	s8 =	sand.u32 $0x70, s7  }
.Ltmp10:
0x11d: {  	s8 =	sadd.s32 s8, s13;
	[tilespmem:v23+s16+$0x0] =	vst.idx.add.f32.msk $0xffff, v22;
	(pc) =	sbr.rel @p2 .LBB2_9-.Ltmp10, $3  }
0x11e: {  	v22 =	vld.idx.msk [tilespmem:v20+s8+$0x0 ss:$0x1], $0xffff  }
0x11f: {  	v23 =	vor.u32 s7, v21;
	_ =	sdelay $0x1  }
0x120: {  	s6 =	sadd.s32 $0x200, s6;
	s7 =	sadd.s32 $0x40, s7  }
0x121: {  	s3 =	sadd.s32 $0x1, s3  }
0x122: {  	p2 =	sne.s32 s3, $0x10  }
.Ltmp11:
0x123: {  	_ = 	snop;
	(pc) =	sbr.rel @p2 .LBB2_8-.Ltmp11, $4  }
.Ltmp12:
0x124: {  	_ = 	snop;
	(pc) =	sbr.rel @!p2 .LBB2_11-.Ltmp12, $4  }
0x125: {  	_ = 	snop  }
0x126: {  	_ = 	snop  }
0x127: {  	[tilespmem:v23+s16+$0x0] =	vst.idx.add.f32.msk $0xffff, v22  }
0x128: {  	_ = 	snop  }
.LBB2_12:
0x129: {  	s0 =	simm.s32 @!p0 $0x0  }
0x12a: {  	[tilespmem:s0], [sflag:$0x1] =	stream.linear.gather @!p0 [hbm4b:s9+s0], $0x8000, $0x38;
	[tilespmem:$0x1A100] =	vst v63  }
0x12b: {  	s1 =	simm.s32 @!p0 $0x10000  }
0x12c: {  	[tilespmem:s1], [sflag:$0x3] =	stream.linear.gather @!p0 [hbm4b:s10+s0], $0x40, $0x38;
	[tilespmem:$0x1A100] =	vst v63  }
0x12d: {  	_ =	swait.ge [sflag:s24], $0x8000  }
.Ltmp13:
0x12e: {  	[sflag:s24] =	ssyncset.done $0x0;
	(pc) =	sbr.rel .LBB2_13-.Ltmp13, $4  }
0x12f: {  	[sflag:s24] =	ssyncadd.s32 $0xFFFF8000  }
0x130: {  	_ =	swait.ge [sflag:s25], $0x40  }
0x131: {  	[sflag:s25] =	ssyncset.done $0x0  }
0x132: {  	s31 =	simm.s32 $0x0;
	[sflag:s25] =	ssyncadd.s32 $0xFFFFFFC0  }
.LBB2_21:
0x133: {  	s31 =	sadd.s32 $0x1, s31  }
0x134: {  	p2 =	sne.s32 s31, $0x4  }
.Ltmp14:
0x135: {  	_ = 	snop;
	(pc) =	sbr.rel @!p2 .LBB2_22-.Ltmp14, $1  }
0x136: {  	_ =	sdelay $0x3  }
.LBB2_13:
0x137: {  	s0 =	sshll.u32 s31, $0x4  }
0x138: {  	v19 =	vld [tilespmem:s0+$0x10080];
	_ =	sdelay $0x4  }
0x139: {  	v20 =	vperm.xlane v19, v0;
	_ =	sdelay $0x1  }
0x13a: {  	vm0 =	veq.s32 v19, v20  }
0x13b: {  	v21 =	vsel vm0, $0x3F800000, v4  }
0x13c: {  	(xrf0) =	vmin.scan.msk.f32 $0xffff, v21;
	_ =	sdelay $0x5  }
0x13d: {  	v21, _, _ =	vpop (xrf0)  }
0x13e: {  	(v2sf) =	vpush v21, $0xF;
	_ =	sdelay $0xe  }
0x13f: {  	v21 =	vshll.u32 v19, $0x7;
	s1 =	spop (v2sf)  }
0x140: {  	v21 =	vor.u32 v2, v21;
	p2 =	sgt.f32 s1, $0.0e+00  }
.Ltmp15:
0x141: {  	_ = 	snop;
	(pc) =	sbr.rel @p2 .LBB2_21-.Ltmp15, $2  }
0x142: {  	_ =	sdelay $0x2  }
0x143: {  	[tilespmem:v21+s17+$0x0] =	vst.idx.add.f32.msk $0xffff, v3  }
0x144: {  	v21 =	vperm.xlane v19, v1;
	_ =	sdelay $0x1  }
0x145: {  	vm1 =	veq.s32 v19, v21  }
0x146: {  	vm0 =	vmor vm0, vm1  }
0x147: {  	v22 =	vsel vm0, $0x3F800000, v4  }
0x148: {  	(xrf0) =	vmin.scan.msk.f32 $0xffff, v22;
	_ =	sdelay $0x5  }
0x149: {  	v22, _, _ =	vpop (xrf0)  }
0x14a: {  	(v2sf) =	vpush v22, $0xF;
	_ =	sdelay $0xe  }
0x14b: {  	s1 =	spop (v2sf)  }
0x14c: {  	p2 =	sgt.f32 s1, $0.0e+00  }
.Ltmp16:
0x14d: {  	_ = 	snop;
	(pc) =	sbr.rel @!p2 .LBB2_18-.Ltmp16, $2  }
0x14e: {  	_ =	sdelay $0x2  }
0x14f: {  	s3 =	simm.s32 $0x0;
	s1 =	simm.s32 $0x0  }
0x150: {  	v22 =	vxor.u32 $0x80000000, v19;
	s0 =	sshll.u32 s31, $0xF  }
0x151: {  	(xrf0) =	vmin.scan.msk.u32 $0xffff, v22;
	s4 =	sshra.s32 s0, $0x2;
	s0 =	simm.s32 $0x0  }
0x152: {  	s1 =	sadd.s32 $0x8000, s4;
	s5 =	sand.u32 $0xC00, s0  }
0x153: {  	s7 =	sand.u32 $0x60, s0;
	s3 =	sadd.s32 s5, s1  }
0x154: {  	s18 =	sadd.s32 $0x9000, s4;
	s6 =	sadd.s32 s7, s3  }
0x155: {  	(xrf0) =	vmax.scan.msk.u32 $0xffff, v22;
	s4 =	sadd.s32 s5, s18;
	v22 =	vld [tilespmem:s6+$0x80]  }
0x156: {  	v23 =	vperm.xlane v19, v5;
	v24 =	vperm.xlane v19, v6;
	s5 =	sadd.s32 s7, s4;
	v25 =	vld [tilespmem:s6+$0x200]  }
0x157: {  	v27 =	vperm.xlane v19, v7;
	v28 =	vperm.xlane v19, v8;
	v29 =	vld [tilespmem:s5+$0x380];
	v26, _, _ =	vpop (xrf0)  }
0x158: {  	v30 =	vperm.xlane v19, v9;
	v31 =	vperm.xlane v19, v10;
	v59 =	vld [tilespmem:s6+$0x0];
	(v2sf) =	vpush v26, $0xF  }
0x159: {  	v32 =	vperm.xlane v19, v11;
	v33 =	vperm.xlane v19, v12;
	v38 =	vld [tilespmem:s6+$0x180]  }
0x15a: {  	v35 =	vperm.xlane v19, v13;
	v36 =	vperm.xlane v19, v16;
	v60 =	vld [tilespmem:s6+$0x100]  }
0x15b: {  	v39 =	vperm.xlane v19, v17;
	v40 =	vperm.xlane v19, v18;
	vm12 =	veq.s32 v21, v20;
	v21 =	vld [tilespmem:s6+$0x280]  }
0x15c: {  	v41 =	vperm.xlane v19, v14;
	v19 =	vperm.xlane v19, v15;
	vm9 =	veq.s32 v36, v20;
	v36 =	vld [tilespmem:s5+$0x280]  }
0x15d: {  	vm13 =	veq.s32 v40, v20;
	vm11 =	veq.s32 v39, v20;
	vm2 =	veq.s32 v31, v20;
	v31 =	vld [tilespmem:s5+$0x200]  }
0x15e: {  	vm10 =	veq.s32 v19, v20;
	vm8 =	veq.s32 v41, v20;
	vm4 =	veq.s32 v35, v20;
	v61 =	vld [tilespmem:s5+$0x300]  }
0x15f: {  	vm5 =	veq.s32 v33, v20;
	vm6 =	veq.s32 v32, v20;
	vm14 =	veq.s32 v23, v20;
	v23 =	vld [tilespmem:s6+$0x300];
	v37, _, _ =	vpop (xrf0)  }
0x160: {  	vm3 =	veq.s32 v30, v20;
	vm0 =	veq.s32 v28, v20;
	v63 =	vld [tilespmem:s6+$0x380];
	(v2sf) =	vpush v37, $0xF  }
0x161: {  	vm1 =	veq.s32 v27, v20;
	vm7 =	veq.s32 v24, v20;
	v45 =	vld [tilespmem:s5+$0x0];
	v20 =	vnsel vm0, $0x0, v25  }
0x162: {  	v19 =	vld [tilespmem:s5+$0x80];
	v24 =	vadd.f32 v38, v60;
	v62 =	vnsel vm7, $0x0, v60;
	v30 =	vnsel vm3, $0x0, v21  }
0x163: {  	v48 =	vld [tilespmem:s5+$0x100];
	v21 =	vadd.f32 v21, v25;
	v44 =	vnsel vm14, $0x0, v22;
	v46 =	vnsel vm11, $0x0, v36  }
0x164: {  	v34 =	vld [tilespmem:s5+$0x180];
	v47 =	vnsel vm12, $0x0, v29;
	v38 =	vnsel vm1, $0x0, v38;
	v49 =	vnsel vm9, $0x0, v31  }
0x165: {  	v22 =	vadd.f32 v22, v59;
	v50 =	vnsel vm2, $0x0, v23;
	v40 =	vnsel vm13, $0x0, v61  }
0x166: {  	v51 =	vnsel vm6, $0x0, v63;
	v23 =	vadd.f32 v63, v23;
	v52 =	vnsel vm5, $0x0, v45  }
0x167: {  	v53 =	vnsel vm4, $0x0, v19;
	v20 =	vadd.f32 v30, v20;
	v25 =	vadd.f32 v44, v59;
	s13 =	spop (v2sf)  }
0x168: {  	v54 =	vnsel vm8, $0x0, v48;
	v28 =	vadd.f32 v38, v62;
	v35 =	vadd.f32 v47, v40;
	s5 =	sshll.u32 s13, $0xB  }
0x169: {  	v55 =	vnsel vm10, $0x0, v34;
	v26 =	vadd.f32 v51, v50;
	v33 =	vadd.f32 v46, v49;
	s5 =	sshra.s32 s5, $0x2  }
0x16a: {  	s14 =	sand.u32 $0x180, s0;
	v32 =	vadd.f32 v53, v52;
	v56 =	vadd.f32 v55, v54;
	s19 =	sadd.s32 $0x10100, s5  }
0x16b: {  	v25 =	vadd.f32 v28, v25;
	v57 =	vadd.f32 v35, v33;
	s6 =	sadd.s32 s14, s19  }
0x16c: {  	v20 =	vadd.f32 v26, v20;
	v58 =	vadd.f32 v56, v32;
	s8 =	sadd.s32 s7, s6  }
0x16d: {  	v27 =	vadd.f32 v29, v61;
	v19 =	vadd.f32 v19, v45;
	v60 =	vld [tilespmem:s8+$0x0]  }
0x16e: {  	v20 =	vadd.f32 v20, v25;
	v61 =	vadd.f32 v57, v58  }
0x16f: {  	v59 =	vadd.f32 v34, v48;
	v62 =	vadd.f32 v36, v31;
	s13 =	spop (v2sf)  }
0x170: {  	v21 =	vadd.f32 v23, v21;
	v20 =	vadd.f32 v61, v20;
	s13 =	sshll.u32 s13, $0xB  }
0x171: {  	v22 =	vadd.f32 v24, v22;
	v19 =	vadd.f32 v59, v19;
	s13 =	sshra.s32 s13, $0x2  }
0x172: {  	v23 =	vadd.f32 v27, v62;
	s20 =	sadd.s32 $0x10100, s13;
	v63 =	vadd.f32 v20, v60  }
0x173: {  	s5 =	sadd.s32 s14, s20  }
0x174: {  	v21 =	vadd.f32 v21, v22;
	v19 =	vadd.f32 v23, v19;
	s14 =	sadd.s32 s7, s5;
	[tilespmem:s8+$0x0] =	vst v63  }
0x175: {  	v22 =	vld [tilespmem:s14+$0x0]  }
0x176: {  	v19 =	vadd.f32 v19, v21;
	_ =	sdelay $0x1  }
0x177: {  	v19 =	vsub.f32 v19, v20;
	_ =	sdelay $0x1  }
0x178: {  	v19 =	vadd.f32 v19, v22  }
0x179: {  	s7 =	sor.u32 $0x10, s7  }
0x17a: {  	s13 =	sadd.s32 s7, s3;
	[tilespmem:s14+$0x0] =	vst v19  }
0x17b: {  	v21 =	vld [tilespmem:s13+$0x80];
	_ =	sdelay $0x1  }
0x17c: {  	v19 =	vld [tilespmem:s13+$0x100]  }
0x17d: {  	s3 =	simm.s32 $0x0;
	s8 =	sadd.s32 s7, s4;
	s4 =	simm.s32 $0x0;
	v20 =	vld [tilespmem:s13+$0x0]  }
.LBB2_16:
0x17e: {  	s3 =	sadd.s32 $0x2, s3;
	v22 =	vld [tilespmem:s8+$0x380];
	s0 =	sadd.s32 $0x100, s0;
	s4 =	sadd.s32 $0x20, s4  }
0x17f: {  	p2 =	slt.u32 s3, $0x1E;
	v23 =	vld [tilespmem:s8+$0x300];
	v24 =	vnsel vm14, $0x0, v21  }
0x180: {  	v25 =	vld [tilespmem:s8+$0x280]  }
0x181: {  	v26 =	vld [tilespmem:s8+$0x200]  }
0x182: {  	v27 =	vld [tilespmem:s8+$0x180];
	v21 =	vadd.f32 v21, v20  }
0x183: {  	v28 =	vld [tilespmem:s8+$0x100]  }
0x184: {  	v29 =	vld [tilespmem:s8+$0x80];
	v30 =	vadd.f32 v22, v23;
	v23 =	vnsel vm13, $0x0, v23;
	v22 =	vnsel vm12, $0x0, v22  }
0x185: {  	v31 =	vld [tilespmem:s8+$0x0];
	v32 =	vnsel vm11, $0x0, v25;
	v22 =	vadd.f32 v22, v23  }
0x186: {  	v23 =	vld [tilespmem:s13+$0x380];
	v25 =	vadd.f32 v25, v26;
	v26 =	vnsel vm9, $0x0, v26  }
0x187: {  	v33 =	vld [tilespmem:s13+$0x300];
	v34 =	vnsel vm10, $0x0, v27;
	v26 =	vadd.f32 v32, v26  }
0x188: {  	v32 =	vld [tilespmem:s13+$0x280];
	v27 =	vadd.f32 v27, v28;
	v28 =	vnsel vm8, $0x0, v28  }
0x189: {  	v35 =	vld [tilespmem:s13+$0x200];
	v36 =	vnsel vm4, $0x0, v29;
	v28 =	vadd.f32 v34, v28;
	v22 =	vadd.f32 v22, v26  }
0x18a: {  	v26 =	vld [tilespmem:s13+$0x180];
	v29 =	vadd.f32 v29, v31;
	v31 =	vnsel vm5, $0x0, v31  }
0x18b: {  	v20 =	vadd.f32 v24, v20;
	v34 =	vnsel vm6, $0x0, v23;
	v24 =	vadd.f32 v36, v31  }
0x18c: {  	v23 =	vadd.f32 v23, v33;
	v27 =	vadd.f32 v27, v29;
	v29 =	vnsel vm2, $0x0, v33  }
0x18d: {  	v31 =	vnsel vm3, $0x0, v32;
	v29 =	vadd.f32 v34, v29;
	v24 =	vadd.f32 v28, v24  }
0x18e: {  	v28 =	vadd.f32 v32, v35;
	v32 =	vnsel vm7, $0x0, v19;
	v33 =	vnsel vm0, $0x0, v35  }
0x18f: {  	v19 =	vadd.f32 v26, v19;
	v26 =	vnsel vm1, $0x0, v26;
	v31 =	vadd.f32 v31, v33  }
0x190: {  	v23 =	vadd.f32 v23, v28;
	v26 =	vadd.f32 v26, v32  }
0x191: {  	s6 =	sadd.s32 s7, s6;
	v19 =	vadd.f32 v19, v21;
	v21 =	vadd.f32 v29, v31  }
0x192: {  	v20 =	vadd.f32 v26, v20;
	v26 =	vld [tilespmem:s6+$0x0]  }
0x193: {  	v22 =	vadd.f32 v22, v24;
	v19 =	vadd.f32 v23, v19  }
0x194: {  	v20 =	vadd.f32 v21, v20;
	_ =	sdelay $0x1  }
0x195: {  	v20 =	vadd.f32 v22, v20  }
0x196: {  	v21 =	vadd.f32 v30, v25  }
0x197: {  	v22 =	vadd.f32 v20, v26  }
0x198: {  	s5 =	sadd.s32 s7, s5;
	v21 =	vadd.f32 v21, v27  }
0x199: {  	[tilespmem:s6+$0x0] =	vst v22  }
0x19a: {  	v19 =	vadd.f32 v21, v19;
	v21 =	vld [tilespmem:s5+$0x0]  }
0x19b: {  	s6 =	sand.u32 $0xC00, s0  }
0x19c: {  	s7 =	sand.u32 $0x60, s4;
	v19 =	vsub.f32 v19, v20;
	s13 =	sadd.s32 s6, s1;
	s8 =	sadd.s32 s6, s18  }
0x19d: {  	s6 =	sadd.s32 s7, s13;
	s14 =	sadd.s32 s7, s8;
	_ =	sdelay $0x1  }
0x19e: {  	v19 =	vadd.f32 v19, v21;
	_ =	sdelay $0x1  }
0x19f: {  	[tilespmem:s5+$0x0] =	vst v19  }
0x1a0: {  	v19 =	vld [tilespmem:s6+$0x80]  }
0x1a1: {  	v20 =	vld [tilespmem:s6+$0x200]  }
0x1a2: {  	v21 =	vld [tilespmem:s14+$0x380]  }
0x1a3: {  	v22 =	vld [tilespmem:s6+$0x0]  }
0x1a4: {  	v23 =	vld [tilespmem:s14+$0x180]  }
0x1a5: {  	v24 =	vld [tilespmem:s6+$0x180]  }
0x1a6: {  	v25 =	vld [tilespmem:s6+$0x100]  }
0x1a7: {  	v27 =	vnsel vm0, $0x0, v20;
	v26 =	vld [tilespmem:s6+$0x280]  }
0x1a8: {  	v28 =	vld [tilespmem:s14+$0x280]  }
0x1a9: {  	v29 =	vld [tilespmem:s14+$0x80]  }
0x1aa: {  	v30 =	vld [tilespmem:s14+$0x200]  }
0x1ab: {  	v31 =	vld [tilespmem:s14+$0x300];
	v32 =	vadd.f32 v24, v25;
	v25 =	vnsel vm7, $0x0, v25  }
0x1ac: {  	v33 =	vld [tilespmem:s6+$0x300];
	v20 =	vadd.f32 v26, v20;
	v26 =	vnsel vm3, $0x0, v26  }
0x1ad: {  	v34 =	vld [tilespmem:s6+$0x380];
	v26 =	vadd.f32 v26, v27  }
0x1ae: {  	v27 =	vnsel vm14, $0x0, v19  }
0x1af: {  	v37 =	vnsel vm12, $0x0, v21;
	v36 =	vnsel vm11, $0x0, v28;
	v27 =	vadd.f32 v27, v22;
	v35 =	vld [tilespmem:s14+$0x0]  }
0x1b0: {  	v24 =	vnsel vm1, $0x0, v24;
	v39 =	vnsel vm9, $0x0, v30;
	v38 =	vld [tilespmem:s14+$0x100]  }
0x1b1: {  	v19 =	vadd.f32 v19, v22;
	v40 =	vnsel vm13, $0x0, v31;
	v22 =	vnsel vm2, $0x0, v33  }
0x1b2: {  	v24 =	vadd.f32 v24, v25;
	v25 =	vadd.f32 v37, v40;
	v41 =	vnsel vm6, $0x0, v34  }
0x1b3: {  	v33 =	vadd.f32 v34, v33;
	v22 =	vadd.f32 v41, v22  }
0x1b4: {  	v21 =	vadd.f32 v21, v31;
	v34 =	vadd.f32 v36, v39;
	v31 =	vnsel vm5, $0x0, v35  }
0x1b5: {  	v36 =	vnsel vm4, $0x0, v29;
	v39 =	vnsel vm10, $0x0, v23;
	v37 =	vnsel vm8, $0x0, v38  }
0x1b6: {  	s5 =	sand.u32 $0x180, s4;
	v31 =	vadd.f32 v36, v31;
	v36 =	vadd.f32 v39, v37  }
0x1b7: {  	s6 =	sadd.s32 s5, s19;
	s5 =	sadd.s32 s5, s20;
	v24 =	vadd.f32 v24, v27;
	v25 =	vadd.f32 v25, v34  }
0x1b8: {  	s14 =	sadd.s32 s7, s6;
	v22 =	vadd.f32 v22, v26;
	v26 =	vadd.f32 v36, v31  }
0x1b9: {  	v27 =	vadd.f32 v28, v30;
	v23 =	vadd.f32 v23, v38;
	v28 =	vld [tilespmem:s14+$0x0]  }
0x1ba: {  	v22 =	vadd.f32 v22, v24;
	v24 =	vadd.f32 v25, v26  }
0x1bb: {  	v25 =	vadd.f32 v29, v35  }
0x1bc: {  	v20 =	vadd.f32 v33, v20;
	v22 =	vadd.f32 v24, v22  }
0x1bd: {  	v21 =	vadd.f32 v21, v27;
	v23 =	vadd.f32 v23, v25  }
0x1be: {  	v19 =	vadd.f32 v32, v19;
	v24 =	vadd.f32 v22, v28;
	_ =	sdelay $0x1  }
0x1bf: {  	v19 =	vadd.f32 v20, v19;
	v20 =	vadd.f32 v21, v23;
	[tilespmem:s14+$0x0] =	vst v24;
	s14 =	sadd.s32 s7, s5  }
0x1c0: {  	v21 =	vld [tilespmem:s14+$0x0]  }
0x1c1: {  	v19 =	vadd.f32 v20, v19;
	_ =	sdelay $0x1  }
0x1c2: {  	v19 =	vsub.f32 v19, v22;
	_ =	sdelay $0x1  }
0x1c3: {  	v19 =	vadd.f32 v19, v21  }
0x1c4: {  	s7 =	sor.u32 $0x10, s7  }
.Ltmp17:
0x1c5: {  	s13 =	sadd.s32 s7, s13;
	[tilespmem:s14+$0x0] =	vst v19;
	(pc) =	sbr.rel @p2 .LBB2_16-.Ltmp17, $3  }
0x1c6: {  	v21 =	vld [tilespmem:s13+$0x80]  }
0x1c7: {  	v19 =	vld [tilespmem:s13+$0x100];
	_ =	sdelay $0x1  }
0x1c8: {  	s8 =	sadd.s32 s7, s8;
	v20 =	vld [tilespmem:s13+$0x0]  }
0x1c9: {  	v22 =	vld [tilespmem:s8+$0x380]  }
0x1ca: {  	v23 =	vld [tilespmem:s8+$0x300]  }
0x1cb: {  	v24 =	vld [tilespmem:s8+$0x280]  }
0x1cc: {  	v25 =	vld [tilespmem:s8+$0x200]  }
0x1cd: {  	v26 =	vld [tilespmem:s8+$0x180]  }
0x1ce: {  	v27 =	vld [tilespmem:s8+$0x100]  }
0x1cf: {  	v28 =	vld [tilespmem:s8+$0x80]  }
0x1d0: {  	v29 =	vld [tilespmem:s8+$0x0]  }
0x1d1: {  	v30 =	vld [tilespmem:s13+$0x380]  }
0x1d2: {  	v33 =	vld [tilespmem:s13+$0x300];
	v36 =	vnsel vm14, $0x0, v21  }
0x1d3: {  	v48 =	vld [tilespmem:s13+$0x280];
	v55 =	vnsel vm7, $0x0, v19;
	v51 =	vadd.f32 v21, v20;
	v20 =	vadd.f32 v36, v20  }
0x1d4: {  	v34 =	vld [tilespmem:s13+$0x200];
	v31 =	vnsel vm13, $0x0, v23;
	v32 =	vnsel vm12, $0x0, v22;
	v22 =	vadd.f32 v22, v23  }
0x1d5: {  	v50 =	vld [tilespmem:s13+$0x180];
	v49 =	vnsel vm11, $0x0, v24;
	v24 =	vadd.f32 v24, v25;
	v25 =	vnsel vm9, $0x0, v25  }
0x1d6: {  	v35 =	vnsel vm10, $0x0, v26;
	v26 =	vadd.f32 v26, v27;
	v27 =	vnsel vm8, $0x0, v27  }
0x1d7: {  	v37 =	vnsel vm4, $0x0, v28;
	v52 =	vnsel vm5, $0x0, v29;
	v38 =	vnsel vm6, $0x0, v30  }
0x1d8: {  	v53 =	vnsel vm2, $0x0, v33;
	v54 =	vnsel vm3, $0x0, v48;
	v47 =	vadd.f32 v32, v31  }
0x1d9: {  	v39 =	vnsel vm0, $0x0, v34;
	v25 =	vadd.f32 v49, v25;
	v27 =	vadd.f32 v35, v27  }
0x1da: {  	v40 =	vnsel vm1, $0x0, v50;
	v35 =	vadd.f32 v37, v52;
	v36 =	vadd.f32 v38, v53  }
0x1db: {  	v37 =	vadd.f32 v54, v39;
	v38 =	vadd.f32 v40, v55  }
0x1dc: {  	v23 =	vadd.f32 v47, v25;
	v56 =	vadd.f32 v27, v35  }
0x1dd: {  	s0 =	sadd.s32 s7, s6;
	v57 =	vadd.f32 v36, v37;
	v20 =	vadd.f32 v38, v20  }
0x1de: {  	v59 =	vld [tilespmem:s0+$0x0];
	v28 =	vadd.f32 v28, v29;
	v58 =	vadd.f32 v30, v33  }
0x1df: {  	v23 =	vadd.f32 v23, v56;
	v20 =	vadd.f32 v57, v20  }
0x1e0: {  	v60 =	vadd.f32 v48, v34;
	v19 =	vadd.f32 v50, v19  }
0x1e1: {  	v26 =	vadd.f32 v26, v28;
	v20 =	vadd.f32 v23, v20  }
0x1e2: {  	v61 =	vadd.f32 v58, v60;
	v19 =	vadd.f32 v19, v51  }
0x1e3: {  	v62 =	vadd.f32 v22, v24;
	v63 =	vadd.f32 v20, v59;
	_ =	sdelay $0x1  }
0x1e4: {  	s1 =	sadd.s32 s7, s5;
	v19 =	vadd.f32 v61, v19;
	v21 =	vadd.f32 v62, v26;
	[tilespmem:s0+$0x0] =	vst v63  }
0x1e5: {  	v22 =	vld [tilespmem:s1+$0x0]  }
0x1e6: {  	v19 =	vadd.f32 v21, v19;
	_ =	sdelay $0x1  }
.Ltmp18:
0x1e7: {  	v19 =	vsub.f32 v19, v20;
	(pc) =	sbr.rel .LBB2_21-.Ltmp18, $3  }
0x1e8: {  	_ = 	snop  }
0x1e9: {  	v19 =	vadd.f32 v19, v22;
	_ =	sdelay $0x1  }
0x1ea: {  	[tilespmem:s1+$0x0] =	vst v19  }
.LBB2_18:
0x1eb: {  	s4 =	sshll.u32 s3, $0x7  }
0x1ec: {  	s5 =	sadd.s32 s0, s3;
	s4 =	sand.u32 $0x380, s4  }
0x1ed: {  	v21 =	vmov s3;
	s5 =	sshll.u32 s5, $0x9;
	v20 =	vmov s4  }
0x1ee: {  	v21 =	vperm.xlane v19, v21;
	s19 =	sand.u32 $0x7000, s5  }
0x1ef: {  	s20 =	simm.s32 $0x0;
	s6 =	sand.u32 $0xC00, s1;
	s4 =	sor.u32 $0x8000, s19  }
0x1f0: {  	s7 =	sand.u32 $0x40, s20;
	v21 =	vshll.u32 v21, $0x9;
	s6 =	sadd.s32 s6, s4  }
0x1f1: {  	v21 =	vor.u32 v2, v21;
	s7 =	sadd.s32 s7, s6  }
0x1f2: {  	v23 =	vor.u32 s20, v21;
	v22 =	vld.idx.msk [tilespmem:v20+s7+$0x0 ss:$0x1], $0xffff;
	_ =	sdelay $0x2  }
0x1f3: {  	s8 =	simm.s32 $0x10  }
0x1f4: {  	s13 =	sand.u32 $0x50, s8  }
0x1f5: {  	s7 =	sadd.s32 s13, s6;
	[tilespmem:v23+s16+$0x0] =	vst.idx.add.f32.msk $0xffff, v22  }
0x1f6: {  	v23 =	vor.u32 s8, v21;
	v22 =	vld.idx.msk [tilespmem:v20+s7+$0x0 ss:$0x1], $0xffff;
	_ =	sdelay $0x2  }
0x1f7: {  	s14 =	simm.s32 $0x20  }
0x1f8: {  	s18 =	sand.u32 $0x60, s14  }
0x1f9: {  	s7 =	sadd.s32 s18, s6;
	[tilespmem:v23+s16+$0x0] =	vst.idx.add.f32.msk $0xffff, v22  }
0x1fa: {  	v23 =	vor.u32 s14, v21;
	v22 =	vld.idx.msk [tilespmem:v20+s7+$0x0 ss:$0x1], $0xffff;
	_ =	sdelay $0x2  }
0x1fb: {  	s19 =	simm.s32 $0x30  }
0x1fc: {  	s20 =	sand.u32 $0x70, s19  }
0x1fd: {  	s6 =	sadd.s32 s20, s6;
	[tilespmem:v23+s16+$0x0] =	vst.idx.add.f32.msk $0xffff, v22  }
0x1fe: {  	v23 =	vor.u32 s19, v21;
	v22 =	vld.idx.msk [tilespmem:v20+s6+$0x0 ss:$0x1], $0xffff;
	_ =	sdelay $0x1  }
0x1ff: {  	s5 =	simm.s32 $0x0;
	s7 =	simm.s32 $0x70;
	s6 =	simm.s32 $0x200  }
.LBB2_19:
0x200: {  	s8 =	sadd.s32 $0xFFFFFFD0, s7;
	s13 =	sand.u32 $0xC00, s6;
	s5 =	sadd.s32 $0x4, s5  }
0x201: {  	s14 =	sand.u32 $0x40, s8;
	s13 =	sadd.s32 s13, s4;
	p2 =	slt.u32 s5, $0x1C  }
0x202: {  	s14 =	sadd.s32 s14, s13;
	[tilespmem:v23+s16+$0x0] =	vst.idx.add.f32.msk $0xffff, v22  }
0x203: {  	v22 =	vld.idx.msk [tilespmem:v20+s14+$0x0 ss:$0x1], $0xffff  }
0x204: {  	v23 =	vor.u32 s8, v21;
	_ =	sdelay $0x2  }
0x205: {  	s8 =	sadd.s32 $0xFFFFFFE0, s7  }
0x206: {  	s14 =	sand.u32 $0x50, s8  }
0x207: {  	s14 =	sadd.s32 s14, s13;
	[tilespmem:v23+s16+$0x0] =	vst.idx.add.f32.msk $0xffff, v22  }
0x208: {  	v22 =	vld.idx.msk [tilespmem:v20+s14+$0x0 ss:$0x1], $0xffff  }
0x209: {  	v23 =	vor.u32 s8, v21;
	_ =	sdelay $0x2  }
0x20a: {  	s8 =	sadd.s32 $0xFFFFFFF0, s7  }
0x20b: {  	s14 =	sand.u32 $0x60, s8  }
0x20c: {  	s14 =	sadd.s32 s14, s13;
	[tilespmem:v23+s16+$0x0] =	vst.idx.add.f32.msk $0xffff, v22  }
0x20d: {  	v22 =	vld.idx.msk [tilespmem:v20+s14+$0x0 ss:$0x1], $0xffff  }
0x20e: {  	v23 =	vor.u32 s8, v21;
	_ =	sdelay $0x3  }
0x20f: {  	s8 =	sand.u32 $0x70, s7  }
.Ltmp19:
0x210: {  	s8 =	sadd.s32 s8, s13;
	[tilespmem:v23+s16+$0x0] =	vst.idx.add.f32.msk $0xffff, v22;
	(pc) =	sbr.rel @p2 .LBB2_19-.Ltmp19, $3  }
0x211: {  	v22 =	vld.idx.msk [tilespmem:v20+s8+$0x0 ss:$0x1], $0xffff  }
0x212: {  	v23 =	vor.u32 s7, v21;
	_ =	sdelay $0x1  }
0x213: {  	s6 =	sadd.s32 $0x200, s6;
	s7 =	sadd.s32 $0x40, s7  }
0x214: {  	s3 =	sadd.s32 $0x1, s3  }
0x215: {  	p2 =	sne.s32 s3, $0x10  }
.Ltmp20:
0x216: {  	_ = 	snop;
	(pc) =	sbr.rel @p2 .LBB2_18-.Ltmp20, $4  }
.Ltmp21:
0x217: {  	_ = 	snop;
	(pc) =	sbr.rel @!p2 .LBB2_21-.Ltmp21, $4  }
0x218: {  	_ = 	snop  }
0x219: {  	_ = 	snop  }
0x21a: {  	[tilespmem:v23+s16+$0x0] =	vst.idx.add.f32.msk $0xffff, v22  }
0x21b: {  	_ = 	snop  }
.LBB2_24:
0x21c: {  	_ =	sfence.sel $0x180000  }
0x21d: {  	[bflag:$0x0] =	sbarrier.arrive $0xFFFF  }
0x21e: {  	_ =	strace $0x90000047  }
0x21f: {  	s0 =	stileid.u32;
	[bflag:$0x2] =	sbarrier.arrive $0xFFFF  }
0x220: {  	p0 =	sne.s32 s0, $0x0;
	s0 =	rddreg [dreg:$0x4]  }
0x221: {  	s0 =	sadd.s32 @!p0 $0x100000, s0  }
0x222: {  	[sflag:s0] =	ssyncadd.tile.s32 @!p0 $0x1;
	_ =	shalt  }
.Lfunc_end2:
_tile_overlayer_lowered:
.L_overlay_start_2:
0x223: {  	(tag) =	ssettag $0x2  }
0x224: {  	s0 =	rddreg [dreg:$0x0];
	s2 =	stileid.u32  }
0x225: {  	s1 =	rddreg [dreg:$0x1];
	p0 =	sne.s32 s2, $0x0  }
0x226: {  	s3 =	rddreg [dreg:$0x2];
	[bflag:$0x3] =	sbarrier.arrive $0xFFFF;
	s2 =	simm.s32 @!p0 $0x1C06  }
0x227: {  	[timem:s3], [sflag:s2] =	dma.local @!p0 [hbm:s0], s1  }
0x228: {  	s0 =	simm.s32 @!p0 $0x6  }
0x229: {  	_ =	swait.ge @!p0 [sflag:s0], s1  }
0x22a: {  	s1 =	ssub.s32 @!p0 $0x0, s1;
	[sflag:s0] =	ssyncset.done @!p0 $0x0  }
0x22b: {  	[sflag:s0] =	ssyncadd.s32 @!p0 s1  }
0x22c: {  	[bflag:$0x3] =	sbarrier.arrive $0xFFFF  }
0x22d: {  	_ =	shalt  }

</sc_bundles>
